<compile_context>
chip_gen: v7x
topology: tpu7x:2x2x1
jax: 0.10.2.dev20260603
libtpu: 0.0.44.dev20260713+nightly
codegen_flags: <defaults>
</compile_context>

<pallas_src>
import functools

import jax
import jax.numpy as jnp
from jax import lax
from jax.experimental import pallas as pl
from jax.experimental.pallas import tpu as pltpu
from jax.experimental.pallas import tpu_sc as plsc

B, T, D = 16, 8192, 512
H = D // 8
K = 1024
WIN = 7

TB = 4096
NT = T // TB

NC, NS = 2, 16
NW = NC * NS
HALF = K // 2
CH = 64
NCH = HALF // CH


def _tc_body(mf_ref, ssf_ref, W1_ref, b1_ref, lng_ref, lnb_ref, cw_ref,
             cb_ref, sw_ref, sb_ref, gate_ref, x_ref,
             attn_ref, vmeta_ref, rmeta_ref, c_scr):
    t = pl.program_id(1)

    x = x_ref[0]
    h = jnp.dot(x, W1_ref[...], preferred_element_type=jnp.float32)
    h = h + b1_ref[...]
    h = h * 0.5 * (1.0 + lax.erf(h * (2.0 ** -0.5)))
    mu = jnp.mean(h, axis=-1, keepdims=True)
    var = jnp.mean((h - mu) ** 2, axis=-1, keepdims=True)
    h = (h - mu) * lax.rsqrt(var + 1e-5) * lng_ref[...] + lnb_ref[...]

    c8 = jnp.dot(h, cw_ref[...], preferred_element_type=jnp.float32)
    sx = ssf_ref[0].astype(jnp.bfloat16).astype(jnp.float32)
    sw = sw_ref[...].astype(jnp.bfloat16).astype(jnp.float32)
    wssf = jnp.sum(sx * sw, axis=-1, keepdims=True) + sb_ref[0, 0]
    col7 = (lax.broadcasted_iota(jnp.int32, (1, 8), 1) == 7).astype(jnp.float32)
    c_scr[:, pl.ds(t * TB, TB)] = jnp.transpose(c8 + wssf * col7, (1, 0))

    @pl.when(t == NT - 1)
    def _finalize():
        cs = c_scr[...]
        lane = lax.broadcasted_iota(jnp.int32, (1, T), 1)
        wconv = jnp.zeros((1, T), jnp.float32) + cb_ref[0, 0]
        for dt in range(WIN):
            k = WIN // 2 - dt
            sh = pltpu.roll(cs[dt:dt + 1, :], k % T, axis=1)
            if k > 0:
                sh = jnp.where(lane < k, 0.0, sh)
            elif k < 0:
                sh = jnp.where(lane >= T + k, 0.0, sh)
            wconv = wconv + sh
        alpha = jax.nn.sigmoid(gate_ref[0, 0])
        a = jnp.tanh(alpha * wconv + (1.0 - alpha) * cs[7:8, :])
        m = mf_ref[0] > 0
        a = jnp.where(m, a, -jnp.inf)
        amax = jnp.max(a)
        e = jnp.exp(a - amax)
        attn = e / jnp.sum(e)
        attn_ref[0] = attn

        enc = jnp.where(m, lax.bitcast_convert_type(attn, jnp.int32),
                        jnp.int32(-1))

        def bis(_, lohi):
            lo, hi = lohi
            mid = lo + (hi - lo) // 2 + 1
            cnt = jnp.sum((enc >= mid).astype(jnp.int32))
            take = cnt >= K
            return (jnp.where(take, mid, lo), jnp.where(take, hi, mid - 1))

        v, _ = lax.fori_loop(0, 32, bis, (jnp.int32(0), jnp.int32(2**31 - 1)))
        r = K - jnp.sum((enc > v).astype(jnp.int32))
        vf = lax.bitcast_convert_type(v, jnp.float32)
        vmeta_ref[...] = jnp.zeros((1, 1, 16), jnp.float32) + vf
        rmeta_ref[...] = jnp.zeros((1, 1, 16), jnp.int32) + r


def _tc_scores(mf, ssf_x, W1, b1, ln_g, ln_b, cw8, conv_b, sw, ssf_bias,
               gate_logit, x):
    grid = (B, NT)
    return pl.pallas_call(
        _tc_body,
        grid=grid,
        in_specs=[
            pl.BlockSpec((1, 1, T), lambda b, t: (b, 0, 0)),
            pl.BlockSpec((1, TB, WIN), lambda b, t: (b, t, 0)),
            pl.BlockSpec((D, H), lambda b, t: (0, 0)),
            pl.BlockSpec((1, H), lambda b, t: (0, 0)),
            pl.BlockSpec((1, H), lambda b, t: (0, 0)),
            pl.BlockSpec((1, H), lambda b, t: (0, 0)),
            pl.BlockSpec((H, 8), lambda b, t: (0, 0)),
            pl.BlockSpec((1, 1), lambda b, t: (0, 0)),
            pl.BlockSpec((1, WIN), lambda b, t: (0, 0)),
            pl.BlockSpec((1, 1), lambda b, t: (0, 0)),
            pl.BlockSpec((1, 1), lambda b, t: (0, 0)),
            pl.BlockSpec((1, TB, D), lambda b, t: (b, t, 0)),
        ],
        out_specs=[
            pl.BlockSpec((1, 1, T), lambda b, t: (b, 0, 0)),
            pl.BlockSpec((1, 1, 16), lambda b, t: (b, 0, 0)),
            pl.BlockSpec((1, 1, 16), lambda b, t: (b, 0, 0)),
        ],
        out_shape=[
            jax.ShapeDtypeStruct((B, 1, T), jnp.float32),
            jax.ShapeDtypeStruct((B, 1, 16), jnp.float32),
            jax.ShapeDtypeStruct((B, 1, 16), jnp.int32),
        ],
        scratch_shapes=[pltpu.VMEM((8, T), jnp.float32)],
        compiler_params=pltpu.CompilerParams(
            dimension_semantics=("parallel", "arbitrary")),
    )(mf, ssf_x, W1, b1, ln_g, ln_b, cw8, conv_b, sw, ssf_bias, gate_logit, x)


def _sc_body(x_hbm, attn_hbm, vmeta_hbm, rmeta_hbm, out_hbm,
             att_v, v_v, r_v, idx_v, buf0, buf1, sem0, sem1):
    cid = lax.axis_index("c")
    sid = lax.axis_index("s")
    wid = sid * NC + cid
    b = wid // 2
    half = wid % 2

    pltpu.sync_copy(attn_hbm.at[b], att_v)
    pltpu.sync_copy(vmeta_hbm.at[b], v_v)
    pltpu.sync_copy(rmeta_hbm.at[b], r_v)
    v = v_v[...]
    r = r_v[...]

    def chunk(i, carry):
        off, eqc = carry
        av = att_v[pl.ds(i * 16, 16)]
        gt = av > v
        eq = av == v
        eq_i = eq.astype(jnp.int32)
        rank = plsc.cumsum(eq_i) - 1 + eqc
        sel = jnp.logical_or(gt, jnp.logical_and(eq, rank < r))
        idxv = lax.iota(jnp.int32, 16) + i * 16
        plsc.store_compressed(idx_v.at[pl.ds(off, 16)], idxv, mask=sel)
        off = off + jnp.sum(sel.astype(jnp.int32), axis=0)
        eqc = eqc + jnp.sum(eq_i, axis=0)
        return off, eqc

    lax.fori_loop(0, T // 16, chunk, (jnp.int32(0), jnp.int32(0)))

    base = half * HALF

    def gch(j, _):
        start = base + j * CH
        pltpu.async_copy(x_hbm.at[b].at[idx_v.at[pl.ds(start, CH)]],
                         buf0, sem0).wait()
        pltpu.sync_copy(buf0, out_hbm.at[b, pl.ds(start, CH)])
        return 0

    lax.fori_loop(0, NCH, gch, 0)


@functools.cache
def _make_sc_gather():
    return pl.kernel(
        _sc_body,
        out_type=jax.ShapeDtypeStruct((B, K, D), jnp.float32),
        mesh=plsc.VectorSubcoreMesh(core_axis_name="c", subcore_axis_name="s",
                                    num_cores=NC, num_subcores=NS),
        scratch_types=[
            pltpu.VMEM((T,), jnp.float32),
            pltpu.VMEM((16,), jnp.float32),
            pltpu.VMEM((16,), jnp.int32),
            pltpu.VMEM((K + 16,), jnp.int32),
            pltpu.VMEM((CH, D), jnp.float32),
            pltpu.VMEM((CH, D), jnp.float32),
            pltpu.SemaphoreType.DMA,
            pltpu.SemaphoreType.DMA,
        ],
        compiler_params=pltpu.CompilerParams(needs_layout_passes=False),
    )


def kernel(l_full_embs, ssf_x, padding_mask, W1, b1, ln_g, ln_b, conv_w,
           conv_b, ssf_weight, ssf_bias, gate_logit):
    mf = padding_mask.astype(jnp.float32)[:, None, :]
    cw8 = jnp.concatenate(
        [conv_w[0, 0].T, jnp.zeros((H, 1), jnp.float32)], axis=1)
    attn, vmeta, rmeta = _tc_scores(
        mf, ssf_x, W1, b1.reshape(1, H), ln_g.reshape(1, H),
        ln_b.reshape(1, H), cw8, conv_b.reshape(1, 1),
        ssf_weight.reshape(1, WIN), ssf_bias.reshape(1, 1),
        gate_logit.reshape(1, 1), l_full_embs)
    pooled = _make_sc_gather()(l_full_embs, attn[:, 0, :],
                               vmeta[:, 0, :], rmeta[:, 0, :])
    return (pooled, attn.reshape(B, T, 1))

# --- scband reference (transcript-rebuilt; emitter-appended) ---
"""Pipeline reference for scband-ag-mix-pooler-1206-3650722201918 (READ-ONLY COPY).

The authoritative reference and input builder live on the scoring server;
editing this copy changes nothing except your own understanding.
"""

import jax, jax.numpy as jnp
import numpy as np

B, T, D = 16, 8192, 512
H = D // 8
TARGET_LEN = 1024
WIN = 7


def _layernorm(x, g, b, eps=1e-5):
    mu = jnp.mean(x, axis=-1, keepdims=True)
    var = jnp.mean((x - mu) ** 2, axis=-1, keepdims=True)
    return (x - mu) / jnp.sqrt(var + eps) * g + b


def setup_inputs(seed: int = 0) -> dict:
    key = jax.random.key(seed)
    ks = jax.random.split(key, 8)
    return {
        "l_full_embs": jax.random.normal(ks[0], (B, T, D), dtype=jnp.float32),
        "ssf_x": jax.random.normal(ks[1], (B, T, 7), dtype=jnp.float32),
        "padding_mask": jnp.ones((B, T), dtype=bool),
        "W1": jax.random.normal(ks[2], (D, H), dtype=jnp.float32) / np.float32(np.sqrt(D)),
        "b1": jnp.zeros((H,), dtype=jnp.float32),
        "ln_g": jnp.ones((H,), dtype=jnp.float32),
        "ln_b": jnp.zeros((H,), dtype=jnp.float32),
        "conv_w": jax.random.normal(ks[3], (1, 1, WIN, H), dtype=jnp.float32) * 0.05,
        "conv_b": jnp.zeros((1,), dtype=jnp.float32),
        "ssf_weight": jax.random.normal(ks[4], (7,), dtype=jnp.float32),
        "ssf_bias": jnp.zeros((1,), dtype=jnp.float32),
        "gate_logit": jnp.zeros((1,), dtype=jnp.float32),
    }


def reference(l_full_embs, ssf_x, padding_mask, W1, b1, ln_g, ln_b, conv_w, conv_b, ssf_weight, ssf_bias, gate_logit):
    # ab_token_reduce_layer: Linear(512->64) + GELU(exact) + Dropout(eval=identity) + LayerNorm(64)
    h = jnp.einsum('btd,dh->bth', l_full_embs, W1) + b1
    h = jax.nn.gelu(h, approximate=False)
    h = _layernorm(h, ln_g, ln_b)
    # _conv_weights: Conv2d(1,1,(7,64),pad=(3,0)) on [B,1,T,64] -> [B,1,T,1]
    x4 = h[:, None, :, :]
    y = jax.lax.conv_general_dilated(
        x4, conv_w, window_strides=(1, 1),
        padding=((WIN // 2, WIN // 2), (0, 0)),
        dimension_numbers=('NCHW', 'OIHW', 'NCHW'))
    y = y + conv_b.reshape(1, 1, 1, 1)
    w_conv = jnp.squeeze(y, axis=1)  # [B, T, 1]
    # _ssf_weights
    w_ssf = (jnp.einsum('bti,i->bt', ssf_x, ssf_weight) + ssf_bias)[..., None]  # [B, T, 1]
    # _fuse_and_normalize
    alpha = jax.nn.sigmoid(gate_logit)
    a = jnp.tanh(alpha * w_conv + (1.0 - alpha) * w_ssf)[..., 0]  # [B, T]
    a = jnp.where(padding_mask, a, -jnp.inf)
    attn = jax.nn.softmax(a, axis=-1)[..., None]  # [B, T, 1]
    # _topk_pool
    K = min(TARGET_LEN, T)
    a2 = attn[..., 0]
    a2 = jnp.where(padding_mask, a2, -jnp.inf)
    _, idx = jax.lax.top_k(a2, K)
    idx_sorted = jnp.sort(idx, axis=-1)
    pooled = jnp.take_along_axis(l_full_embs, idx_sorted[..., None], axis=1)  # [B, K, D]
    return (pooled, attn)

if __name__ == "__main__":
    import jax
    _d = setup_inputs()
    print(jax.jit(kernel)(*tuple(_d.values())))

</pallas_src>

<mosaic_0001>
#map = affine_map<(d0, d1) -> (0, 0, 0)>
#map1 = affine_map<(d0, d1) -> (0, 0)>
module attributes {stable_mosaic.version = 14 : i64} {
  func.func @_sc_body(%arg0: i32, %arg1: i32, %arg2: memref<16x8192x512xf32, #tpu.memory_space<hbm>>, %arg3: memref<16x8192xf32, #tpu.memory_space<hbm>>, %arg4: memref<16x16xf32, #tpu.memory_space<hbm>>, %arg5: memref<16x16xi32, #tpu.memory_space<hbm>>, %arg6: memref<16x1024x512xf32, #tpu.memory_space<hbm>>, %arg7: memref<8192xf32, #tpu.memory_space<vmem>>, %arg8: memref<16xf32, #tpu.memory_space<vmem>>, %arg9: memref<16xi32, #tpu.memory_space<vmem>>, %arg10: memref<1040xi32, #tpu.memory_space<vmem>>, %arg11: memref<64x512xf32, #tpu.memory_space<vmem>>, %arg12: memref<64x512xf32, #tpu.memory_space<vmem>>, %arg13: memref<!tpu.dma_semaphore, #tpu.memory_space<semaphore_mem>>, %arg14: memref<!tpu.dma_semaphore, #tpu.memory_space<semaphore_mem>>) attributes {dimension_semantics = [#tpu.dimension_semantics<core_parallel>, #tpu.dimension_semantics<subcore_parallel>], iteration_bounds = array<i64: 2, 16>, scalar_prefetch = 0 : i64, scratch_operands = 8 : i64, tpu.core_type = #tpu.core_type<sc_vector_subcore>, window_params = [{transform_indices = #map}, {transform_indices = #map1}, {transform_indices = #map1}, {transform_indices = #map1}, {transform_indices = #map}]} {
    %mul3A = arith.constant 2 : i32
    %mul3A_0 = arith.muli %arg1, %mul3A : i32
    %add3A = arith.addi %mul3A_0, %arg0 : i32
    %jit3A = arith.constant 2 : i32
    %div3A = arith.divsi %add3A, %jit3A : i32
    %sign3A = arith.constant 0 : i32
    %sign3A_1 = arith.cmpi sgt, %add3A, %sign3A : i32
    %sign3A_2 = arith.extui %sign3A_1 : i1 to i32
    %sign3A_3 = arith.constant 0 : i32
    %sign3A_4 = arith.cmpi slt, %add3A, %sign3A_3 : i32
    %sign3A_5 = arith.extui %sign3A_4 : i1 to i32
    %sign3A_6 = arith.subi %sign3A_2, %sign3A_5 : i32
    %sign3A_7 = arith.constant 0 : i32
    %sign3A_8 = arith.cmpi sgt, %jit3A, %sign3A_7 : i32
    %sign3A_9 = arith.extui %sign3A_8 : i1 to i32
    %sign3A_10 = arith.constant 0 : i32
    %sign3A_11 = arith.cmpi slt, %jit3A, %sign3A_10 : i32
    %sign3A_12 = arith.extui %sign3A_11 : i1 to i32
    %sign3A_13 = arith.subi %sign3A_9, %sign3A_12 : i32
    %ne3A = arith.cmpi ne, %sign3A_6, %sign3A_13 : i32
    %rem3A = arith.remsi %add3A, %jit3A : i32
    %ne3A_14 = arith.constant 0 : i32
    %ne3A_15 = arith.cmpi ne, %rem3A, %ne3A_14 : i32
    %and3A = arith.andi %ne3A, %ne3A_15 : i1
    %sub3A = arith.constant 1 : i32
    %sub3A_16 = arith.subi %div3A, %sub3A : i32
    %select_n3A = arith.select %and3A, %sub3A_16, %div3A : i32
    %jit3A_17 = arith.constant 2 : i32
    %eq3A = arith.constant 0 : i32
    %eq3A_18 = arith.cmpi eq, %jit3A_17, %eq3A : i32
    %jit3A_19 = arith.constant 1 : i32
    %select_n3A_20 = arith.select %eq3A_18, %jit3A_19, %jit3A_17 : i32
    %rem3A_21 = arith.remsi %add3A, %select_n3A_20 : i32
    %ne3A_22 = arith.constant 0 : i32
    %ne3A_23 = arith.cmpi ne, %rem3A_21, %ne3A_22 : i32
    %lt3A = arith.constant 0 : i32
    %lt3A_24 = arith.cmpi slt, %rem3A_21, %lt3A : i32
    %lt3A_25 = arith.constant 0 : i32
    %lt3A_26 = arith.cmpi slt, %select_n3A_20, %lt3A_25 : i32
    %ne3A_27 = arith.xori %lt3A_24, %lt3A_26 : i1
    %and3A_28 = arith.andi %ne3A_27, %ne3A_23 : i1
    %add3A_29 = arith.addi %rem3A_21, %select_n3A_20 : i32
    %select_n3A_30 = arith.select %and3A_28, %add3A_29, %rem3A_21 : i32
    "tpu.region"() ({
      %run_scoped3A = tpu.sem_alloc : memref<!tpu.dma_semaphore, #tpu.memory_space<semaphore_mem>>
      %dma_start3A = arith.constant 0 : i32
      %dma_start3A_50 = tpu.memref_slice %arg3[%select_n3A, %dma_start3A] : memref<16x8192xf32, #tpu.memory_space<hbm>> -> memref<1x8192xf32, #tpu.memory_space<hbm>>
      %dma_start3A_51 = tpu.memref_squeeze %dma_start3A_50 : memref<1x8192xf32, #tpu.memory_space<hbm>> -> memref<8192xf32, #tpu.memory_space<hbm>>
      %dma_start3A_52 = arith.constant 0 : i32
      %dma_start3A_53 = tpu.memref_slice %arg3[%select_n3A, %dma_start3A_52] : memref<16x8192xf32, #tpu.memory_space<hbm>> -> memref<1x8192xf32, #tpu.memory_space<hbm>>
      %dma_start3A_54 = tpu.memref_squeeze %dma_start3A_53 : memref<1x8192xf32, #tpu.memory_space<hbm>> -> memref<8192xf32, #tpu.memory_space<hbm>>
      tpu.enqueue_dma source(%dma_start3A_54 : memref<8192xf32, #tpu.memory_space<hbm>>) target(%arg7 : memref<8192xf32, #tpu.memory_space<vmem>>) target_semaphore(%run_scoped3A : memref<!tpu.dma_semaphore, #tpu.memory_space<semaphore_mem>>)
      %dma_wait3A = arith.constant 0 : i32
      %dma_wait3A_55 = tpu.memref_slice %arg3[%select_n3A, %dma_wait3A] : memref<16x8192xf32, #tpu.memory_space<hbm>> -> memref<1x8192xf32, #tpu.memory_space<hbm>>
      %dma_wait3A_56 = tpu.memref_squeeze %dma_wait3A_55 : memref<1x8192xf32, #tpu.memory_space<hbm>> -> memref<8192xf32, #tpu.memory_space<hbm>>
      %dma_wait3A_57 = arith.constant 0 : i32
      %dma_wait3A_58 = tpu.memref_slice %arg3[%select_n3A, %dma_wait3A_57] : memref<16x8192xf32, #tpu.memory_space<hbm>> -> memref<1x8192xf32, #tpu.memory_space<hbm>>
      %dma_wait3A_59 = tpu.memref_squeeze %dma_wait3A_58 : memref<1x8192xf32, #tpu.memory_space<hbm>> -> memref<8192xf32, #tpu.memory_space<hbm>>
      tpu.wait_dma2 semaphore(%run_scoped3A : memref<!tpu.dma_semaphore, #tpu.memory_space<semaphore_mem>>) src(%dma_wait3A_59 : memref<8192xf32, #tpu.memory_space<hbm>>) dst(%arg7 : memref<8192xf32, #tpu.memory_space<vmem>>)
      tpu.yield
    }) : () -> ()
    "tpu.region"() ({
      %run_scoped3A = tpu.sem_alloc : memref<!tpu.dma_semaphore, #tpu.memory_space<semaphore_mem>>
      %dma_start3A = arith.constant 0 : i32
      %dma_start3A_50 = tpu.memref_slice %arg4[%select_n3A, %dma_start3A] : memref<16x16xf32, #tpu.memory_space<hbm>> -> memref<1x16xf32, #tpu.memory_space<hbm>>
      %dma_start3A_51 = tpu.memref_squeeze %dma_start3A_50 : memref<1x16xf32, #tpu.memory_space<hbm>> -> memref<16xf32, #tpu.memory_space<hbm>>
      %dma_start3A_52 = arith.constant 0 : i32
      %dma_start3A_53 = tpu.memref_slice %arg4[%select_n3A, %dma_start3A_52] : memref<16x16xf32, #tpu.memory_space<hbm>> -> memref<1x16xf32, #tpu.memory_space<hbm>>
      %dma_start3A_54 = tpu.memref_squeeze %dma_start3A_53 : memref<1x16xf32, #tpu.memory_space<hbm>> -> memref<16xf32, #tpu.memory_space<hbm>>
      tpu.enqueue_dma source(%dma_start3A_54 : memref<16xf32, #tpu.memory_space<hbm>>) target(%arg8 : memref<16xf32, #tpu.memory_space<vmem>>) target_semaphore(%run_scoped3A : memref<!tpu.dma_semaphore, #tpu.memory_space<semaphore_mem>>)
      %dma_wait3A = arith.constant 0 : i32
      %dma_wait3A_55 = tpu.memref_slice %arg4[%select_n3A, %dma_wait3A] : memref<16x16xf32, #tpu.memory_space<hbm>> -> memref<1x16xf32, #tpu.memory_space<hbm>>
      %dma_wait3A_56 = tpu.memref_squeeze %dma_wait3A_55 : memref<1x16xf32, #tpu.memory_space<hbm>> -> memref<16xf32, #tpu.memory_space<hbm>>
      %dma_wait3A_57 = arith.constant 0 : i32
      %dma_wait3A_58 = tpu.memref_slice %arg4[%select_n3A, %dma_wait3A_57] : memref<16x16xf32, #tpu.memory_space<hbm>> -> memref<1x16xf32, #tpu.memory_space<hbm>>
      %dma_wait3A_59 = tpu.memref_squeeze %dma_wait3A_58 : memref<1x16xf32, #tpu.memory_space<hbm>> -> memref<16xf32, #tpu.memory_space<hbm>>
      tpu.wait_dma2 semaphore(%run_scoped3A : memref<!tpu.dma_semaphore, #tpu.memory_space<semaphore_mem>>) src(%dma_wait3A_59 : memref<16xf32, #tpu.memory_space<hbm>>) dst(%arg8 : memref<16xf32, #tpu.memory_space<vmem>>)
      tpu.yield
    }) : () -> ()
    "tpu.region"() ({
      %run_scoped3A = tpu.sem_alloc : memref<!tpu.dma_semaphore, #tpu.memory_space<semaphore_mem>>
      %dma_start3A = arith.constant 0 : i32
      %dma_start3A_50 = tpu.memref_slice %arg5[%select_n3A, %dma_start3A] : memref<16x16xi32, #tpu.memory_space<hbm>> -> memref<1x16xi32, #tpu.memory_space<hbm>>
      %dma_start3A_51 = tpu.memref_squeeze %dma_start3A_50 : memref<1x16xi32, #tpu.memory_space<hbm>> -> memref<16xi32, #tpu.memory_space<hbm>>
      %dma_start3A_52 = arith.constant 0 : i32
      %dma_start3A_53 = tpu.memref_slice %arg5[%select_n3A, %dma_start3A_52] : memref<16x16xi32, #tpu.memory_space<hbm>> -> memref<1x16xi32, #tpu.memory_space<hbm>>
      %dma_start3A_54 = tpu.memref_squeeze %dma_start3A_53 : memref<1x16xi32, #tpu.memory_space<hbm>> -> memref<16xi32, #tpu.memory_space<hbm>>
      tpu.enqueue_dma source(%dma_start3A_54 : memref<16xi32, #tpu.memory_space<hbm>>) target(%arg9 : memref<16xi32, #tpu.memory_space<vmem>>) target_semaphore(%run_scoped3A : memref<!tpu.dma_semaphore, #tpu.memory_space<semaphore_mem>>)
      %dma_wait3A = arith.constant 0 : i32
      %dma_wait3A_55 = tpu.memref_slice %arg5[%select_n3A, %dma_wait3A] : memref<16x16xi32, #tpu.memory_space<hbm>> -> memref<1x16xi32, #tpu.memory_space<hbm>>
      %dma_wait3A_56 = tpu.memref_squeeze %dma_wait3A_55 : memref<1x16xi32, #tpu.memory_space<hbm>> -> memref<16xi32, #tpu.memory_space<hbm>>
      %dma_wait3A_57 = arith.constant 0 : i32
      %dma_wait3A_58 = tpu.memref_slice %arg5[%select_n3A, %dma_wait3A_57] : memref<16x16xi32, #tpu.memory_space<hbm>> -> memref<1x16xi32, #tpu.memory_space<hbm>>
      %dma_wait3A_59 = tpu.memref_squeeze %dma_wait3A_58 : memref<1x16xi32, #tpu.memory_space<hbm>> -> memref<16xi32, #tpu.memory_space<hbm>>
      tpu.wait_dma2 semaphore(%run_scoped3A : memref<!tpu.dma_semaphore, #tpu.memory_space<semaphore_mem>>) src(%dma_wait3A_59 : memref<16xi32, #tpu.memory_space<hbm>>) dst(%arg9 : memref<16xi32, #tpu.memory_space<vmem>>)
      tpu.yield
    }) : () -> ()
    %get3A = arith.constant 0 : index
    %get3A_31 = tpu.vector_load %arg8[%get3A] {strides = array<i32>} : memref<16xf32, #tpu.memory_space<vmem>>, vector<16xf32>,
    %get3A_32 = arith.constant 0 : index
    %get3A_33 = tpu.vector_load %arg9[%get3A_32] {strides = array<i32>} : memref<16xi32, #tpu.memory_space<vmem>>, vector<16xi32>,
    %scan3A = arith.constant 0 : i32
    %scan3A_34 = arith.constant 0 : i32
    %scan3A_35 = arith.constant 0 : i32
    %scan3A_36 = arith.constant 512 : i32
    %scan3A_37 = arith.addi %scan3A_35, %scan3A_36 : i32
    %scan3A_38 = arith.constant 1 : i32
    %scan3A_39:2 = scf.for %scan3A_50 = %scan3A_35 to %scan3A_37 step %scan3A_38 iter_args(%scan3A_51 = %scan3A, %scan3A_52 = %scan3A_34) -> (i32, i32)  : i32 {
      %mul3A_53 = arith.constant 16 : i32
      %mul3A_54 = arith.muli %scan3A_50, %mul3A_53 : i32
      %get3A_55 = arith.index_cast %mul3A_54 : i32 to index
      %get3A_56 = tpu.vector_load %arg7[%get3A_55] {strides = array<i32>} : memref<8192xf32, #tpu.memory_space<vmem>>, vector<16xf32>,
      %gt3A = arith.cmpf ogt, %get3A_56, %get3A_31 : vector<16xf32>
      %eq3A_57 = arith.cmpf oeq, %get3A_56, %get3A_31 : vector<16xf32>
      %convert_element_type3A = arith.extui %eq3A_57 : vector<16xi1> to vector<16xi32>
      %broadcast_in_dim3A = arith.constant true
      %broadcast_in_dim3A_58 = vector.broadcast %broadcast_in_dim3A : i1 to vector<16xi1>
      %masked_cumsum3A = tpu.scan <sum>, %convert_element_type3A masked %broadcast_in_dim3A_58 : vector<16xi32>, vector<16xi1> -> vector<16xi32>
      %sub3A_59 = arith.constant 1 : i32
      %sub3A_60 = vector.broadcast %sub3A_59 : i32 to vector<16xi32>
      %sub3A_61 = arith.subi %masked_cumsum3A, %sub3A_60 : vector<16xi32>
      %add3A_62 = vector.broadcast %scan3A_52 : i32 to vector<16xi32>
      %add3A_63 = arith.addi %sub3A_61, %add3A_62 : vector<16xi32>
      %lt3A_64 = arith.cmpi slt, %add3A_63, %get3A_33 : vector<16xi32>
      %and3A_65 = arith.andi %eq3A_57, %lt3A_64 : vector<16xi1>
      %or3A = arith.ori %gt3A, %and3A_65 : vector<16xi1>
      %iota3A = tpu.iota {dimensions = array<i32: 0>} : vector<16xi32>
      %mul3A_66 = arith.constant 16 : i32
      %mul3A_67 = arith.muli %scan3A_50, %mul3A_66 : i32
      %add3A_68 = vector.broadcast %mul3A_67 : i32 to vector<16xi32>
      %add3A_69 = arith.addi %iota3A, %add3A_68 : vector<16xi32>
      %swap3A = arith.index_cast %scan3A_51 : i32 to index
      %swap3A_70 = tpu.vector_load %arg10[%swap3A] masked %or3A {strides = array<i32>} : memref<1040xi32, #tpu.memory_space<vmem>>, vector<16xi32>, vector<16xi1>
      tpu.vector_store %arg10[%swap3A], %add3A_69 masked %or3A {strides = array<i32>} : memref<1040xi32, #tpu.memory_space<vmem>>, vector<16xi32>, vector<16xi1>
      %convert_element_type3A_71 = arith.extui %or3A : vector<16xi1> to vector<16xi32>
      %reduce_sum3A = arith.constant true
      %reduce_sum3A_72 = vector.broadcast %reduce_sum3A : i1 to vector<16xi1>
      %reduce_sum3A_73 = tpu.scan <sum>, %convert_element_type3A_71 masked %reduce_sum3A_72 : vector<16xi32>, vector<16xi1> -> vector<16xi32>
      %reduce_sum3A_74 = vector.extract %reduce_sum3A_73[15] : i32 from vector<16xi32>
      %add3A_75 = arith.addi %scan3A_51, %reduce_sum3A_74 : i32
      %reduce_sum3A_76 = arith.constant true
      %reduce_sum3A_77 = vector.broadcast %reduce_sum3A_76 : i1 to vector<16xi1>
      %reduce_sum3A_78 = tpu.scan <sum>, %convert_element_type3A masked %reduce_sum3A_77 : vector<16xi32>, vector<16xi1> -> vector<16xi32>
      %reduce_sum3A_79 = vector.extract %reduce_sum3A_78[15] : i32 from vector<16xi32>
      %add3A_80 = arith.addi %scan3A_52, %reduce_sum3A_79 : i32
      scf.yield %add3A_75, %add3A_80 : i32, i32
    }
    %scan3A_40 = arith.constant 512 : i32
    %mul3A_41 = arith.constant 512 : i32
    %mul3A_42 = arith.muli %select_n3A_30, %mul3A_41 : i32
    %scan3A_43 = arith.constant 0 : i32
    %scan3A_44 = arith.constant 0 : i32
    %scan3A_45 = arith.constant 8 : i32
    %scan3A_46 = arith.addi %scan3A_44, %scan3A_45 : i32
    %scan3A_47 = arith.constant 1 : i32
    %scan3A_48 = scf.for %scan3A_50 = %scan3A_44 to %scan3A_46 step %scan3A_47 iter_args(%scan3A_51 = %scan3A_43) -> (i32)  : i32 {
      %mul3A_52 = arith.constant 64 : i32
      %mul3A_53 = arith.muli %scan3A_50, %mul3A_52 : i32
      %add3A_54 = arith.addi %mul3A_42, %mul3A_53 : i32
      %dma_start3A = tpu.memref_slice %arg10[%add3A_54] : memref<1040xi32, #tpu.memory_space<vmem>> -> memref<64xi32, #tpu.memory_space<vmem>>
      %dma_start3A_55 = arith.constant 0 : i32
      %dma_start3A_56 = arith.constant 0 : i32
      %dma_start3A_57 = tpu.memref_slice %arg2[%select_n3A, %dma_start3A_55, %dma_start3A_56] : memref<16x8192x512xf32, #tpu.memory_space<hbm>> -> memref<1x8192x512xf32, #tpu.memory_space<hbm>>
      %dma_start3A_58 = tpu.memref_squeeze %dma_start3A_57 : memref<1x8192x512xf32, #tpu.memory_space<hbm>> -> memref<8192x512xf32, #tpu.memory_space<hbm>>
      %dma_start3A_59 = arith.constant 0 : i32
      %dma_start3A_60 = arith.constant 0 : i32
      %dma_start3A_61 = tpu.memref_slice %dma_start3A_58[%dma_start3A_59, %dma_start3A_60] : memref<8192x512xf32, #tpu.memory_space<hbm>> -> memref<8192x512xf32, #tpu.memory_space<hbm>>
      tpu.enqueue_indirect_dma source(%dma_start3A_61 : memref<8192x512xf32, #tpu.memory_space<hbm>>) target(%arg11 : memref<64x512xf32, #tpu.memory_space<vmem>>) offsets(%dma_start3A : memref<64xi32, #tpu.memory_space<vmem>>) semaphore(%arg13 : memref<!tpu.dma_semaphore, #tpu.memory_space<semaphore_mem>>)
      %dma_wait3A = tpu.memref_slice %arg10[%add3A_54] : memref<1040xi32, #tpu.memory_space<vmem>> -> memref<64xi32, #tpu.memory_space<vmem>>
      %dma_wait3A_62 = arith.constant 0 : i32
      %dma_wait3A_63 = arith.constant 0 : i32
      %dma_wait3A_64 = tpu.memref_slice %arg2[%select_n3A, %dma_wait3A_62, %dma_wait3A_63] : memref<16x8192x512xf32, #tpu.memory_space<hbm>> -> memref<1x8192x512xf32, #tpu.memory_space<hbm>>
      %dma_wait3A_65 = tpu.memref_squeeze %dma_wait3A_64 : memref<1x8192x512xf32, #tpu.memory_space<hbm>> -> memref<8192x512xf32, #tpu.memory_space<hbm>>
      %dma_wait3A_66 = arith.constant 0 : i32
      %dma_wait3A_67 = arith.constant 0 : i32
      %dma_wait3A_68 = tpu.memref_slice %dma_wait3A_65[%dma_wait3A_66, %dma_wait3A_67] : memref<8192x512xf32, #tpu.memory_space<hbm>> -> memref<8192x512xf32, #tpu.memory_space<hbm>>
      tpu.wait_indirect_dma semaphore(%arg13 : memref<!tpu.dma_semaphore, #tpu.memory_space<semaphore_mem>>) src(%dma_wait3A_68 : memref<8192x512xf32, #tpu.memory_space<hbm>>) dst(%arg11 : memref<64x512xf32, #tpu.memory_space<vmem>>)
      "tpu.region"() ({
        %run_scoped3A = tpu.sem_alloc : memref<!tpu.dma_semaphore, #tpu.memory_space<semaphore_mem>>
        %dma_start3A_70 = arith.constant 0 : i32
        %dma_start3A_71 = tpu.memref_slice %arg6[%select_n3A, %add3A_54, %dma_start3A_70] : memref<16x1024x512xf32, #tpu.memory_space<hbm>> -> memref<1x64x512xf32, #tpu.memory_space<hbm>>
        %dma_start3A_72 = tpu.memref_squeeze %dma_start3A_71 : memref<1x64x512xf32, #tpu.memory_space<hbm>> -> memref<64x512xf32, #tpu.memory_space<hbm>>
        %dma_start3A_73 = arith.constant 0 : i32
        %dma_start3A_74 = tpu.memref_slice %arg6[%select_n3A, %add3A_54, %dma_start3A_73] : memref<16x1024x512xf32, #tpu.memory_space<hbm>> -> memref<1x64x512xf32, #tpu.memory_space<hbm>>
        %dma_start3A_75 = tpu.memref_squeeze %dma_start3A_74 : memref<1x64x512xf32, #tpu.memory_space<hbm>> -> memref<64x512xf32, #tpu.memory_space<hbm>>
        tpu.enqueue_dma source(%arg11 : memref<64x512xf32, #tpu.memory_space<vmem>>) target(%dma_start3A_75 : memref<64x512xf32, #tpu.memory_space<hbm>>) target_semaphore(%run_scoped3A : memref<!tpu.dma_semaphore, #tpu.memory_space<semaphore_mem>>)
        %dma_wait3A_76 = arith.constant 0 : i32
        %dma_wait3A_77 = tpu.memref_slice %arg6[%select_n3A, %add3A_54, %dma_wait3A_76] : memref<16x1024x512xf32, #tpu.memory_space<hbm>> -> memref<1x64x512xf32, #tpu.memory_space<hbm>>
        %dma_wait3A_78 = tpu.memref_squeeze %dma_wait3A_77 : memref<1x64x512xf32, #tpu.memory_space<hbm>> -> memref<64x512xf32, #tpu.memory_space<hbm>>
        %dma_wait3A_79 = arith.constant 0 : i32
        %dma_wait3A_80 = tpu.memref_slice %arg6[%select_n3A, %add3A_54, %dma_wait3A_79] : memref<16x1024x512xf32, #tpu.memory_space<hbm>> -> memref<1x64x512xf32, #tpu.memory_space<hbm>>
        %dma_wait3A_81 = tpu.memref_squeeze %dma_wait3A_80 : memref<1x64x512xf32, #tpu.memory_space<hbm>> -> memref<64x512xf32, #tpu.memory_space<hbm>>
        tpu.wait_dma2 semaphore(%run_scoped3A : memref<!tpu.dma_semaphore, #tpu.memory_space<semaphore_mem>>) src(%arg11 : memref<64x512xf32, #tpu.memory_space<vmem>>) dst(%dma_wait3A_81 : memref<64x512xf32, #tpu.memory_space<hbm>>)
        tpu.yield
      }) : () -> ()
      %scan3A_69 = arith.constant 0 : i32
      scf.yield %scan3A_69 : i32
    }
    %scan3A_49 = arith.constant 8 : i32
    return
  }
}

module attributes {stable_mosaic.version = 14 : i64} {
  func.func @_tc_body(%arg0: i32, %arg1: i32, %arg2: memref<1x1x8192xf32, #tpu.memory_space<vmem>>, %arg3: memref<1x4096x7xf32, #tpu.memory_space<vmem>>, %arg4: memref<512x64xf32, #tpu.memory_space<vmem>>, %arg5: memref<1x64xf32, #tpu.memory_space<vmem>>, %arg6: memref<1x64xf32, #tpu.memory_space<vmem>>, %arg7: memref<1x64xf32, #tpu.memory_space<vmem>>, %arg8: memref<64x8xf32, #tpu.memory_space<vmem>>, %arg9: memref<1x1xf32, #tpu.memory_space<vmem>>, %arg10: memref<1x7xf32, #tpu.memory_space<vmem>>, %arg11: memref<1x1xf32, #tpu.memory_space<vmem>>, %arg12: memref<1x1xf32, #tpu.memory_space<vmem>>, %arg13: memref<1x4096x512xf32, #tpu.memory_space<vmem>>, %arg14: memref<1x1x8192xf32, #tpu.memory_space<vmem>>, %arg15: memref<1x1x16xf32, #tpu.memory_space<vmem>>, %arg16: memref<1x1x16xi32, #tpu.memory_space<vmem>>, %arg17: memref<8x8192xf32, #tpu.memory_space<vmem>>) attributes {dimension_semantics = [#tpu.dimension_semantics<parallel>, #tpu.dimension_semantics<arbitrary>], iteration_bounds = array<i64: 16, 2>, scalar_prefetch = 0 : i64, scratch_operands = 1 : i64, tpu.core_type = #tpu.core_type<tc>, window_params = [{transform_indices = @transform_0, window_bounds = array<i64: 1, 1, 8192>}, {transform_indices = @transform_1, window_bounds = array<i64: 1, 4096, 7>}, {pipeline_mode = #tpu.pipeline_mode<synchronous>, transform_indices = @transform_2, window_bounds = array<i64: 512, 64>}, {pipeline_mode = #tpu.pipeline_mode<synchronous>, transform_indices = @transform_3, window_bounds = array<i64: 1, 64>}, {pipeline_mode = #tpu.pipeline_mode<synchronous>, transform_indices = @transform_4, window_bounds = array<i64: 1, 64>}, {pipeline_mode = #tpu.pipeline_mode<synchronous>, transform_indices = @transform_5, window_bounds = array<i64: 1, 64>}, {pipeline_mode = #tpu.pipeline_mode<synchronous>, transform_indices = @transform_6, window_bounds = array<i64: 64, 8>}, {pipeline_mode = #tpu.pipeline_mode<synchronous>, transform_indices = @transform_7, window_bounds = array<i64: 1, 1>}, {pipeline_mode = #tpu.pipeline_mode<synchronous>, transform_indices = @transform_8, window_bounds = array<i64: 1, 7>}, {pipeline_mode = #tpu.pipeline_mode<synchronous>, transform_indices = @transform_9, window_bounds = array<i64: 1, 1>}, {pipeline_mode = #tpu.pipeline_mode<synchronous>, transform_indices = @transform_10, window_bounds = array<i64: 1, 1>}, {transform_indices = @transform_11, window_bounds = array<i64: 1, 4096, 512>}, {transform_indices = @transform_12, window_bounds = array<i64: 1, 1, 8192>}, {transform_indices = @transform_13, window_bounds = array<i64: 1, 1, 16>}, {transform_indices = @transform_14, window_bounds = array<i64: 1, 1, 16>}]} {
    %get3A = arith.constant 0 : index
    %get3A_0 = arith.constant 0 : index
    %get3A_1 = arith.constant 0 : index
    %get3A_2 = vector.load %arg13[%get3A, %get3A_0, %get3A_1] : memref<1x4096x512xf32, #tpu.memory_space<vmem>>, vector<1x4096x512xf32>
    %get3A_3 = vector.shape_cast %get3A_2 : vector<1x4096x512xf32> to vector<4096x512xf32>
    %get3A_4 = arith.constant 0 : index
    %get3A_5 = arith.constant 0 : index
    %get3A_6 = vector.load %arg4[%get3A_4, %get3A_5] : memref<512x64xf32, #tpu.memory_space<vmem>>, vector<512x64xf32>
    %dot_general3A = arith.constant dense<0.000000e+00> : vector<4096x64xf32>
    %dot_general3A_7 = tpu.matmul %get3A_3, %get3A_6, %dot_general3A {dimension_numbers = #tpu.dot_dimension_numbers<[1], [0], [0], [1], [0, 0, 1, 1], [], []>, transpose_lhs_hint = false} : vector<4096x512xf32>, vector<512x64xf32>, vector<4096x64xf32> -> vector<4096x64xf32>
    %get3A_8 = arith.constant 0 : index
    %get3A_9 = arith.constant 0 : index
    %get3A_10 = vector.load %arg5[%get3A_8, %get3A_9] : memref<1x64xf32, #tpu.memory_space<vmem>>, vector<1x64xf32>
    %add3A = vector.broadcast %get3A_10 : vector<1x64xf32> to vector<4096x64xf32>
    %add3A_11 = arith.addf %dot_general3A_7, %add3A : vector<4096x64xf32>
    %mul3A = arith.constant 5.000000e-01 : f32
    %mul3A_12 = vector.broadcast %mul3A : f32 to vector<4096x64xf32>
    %mul3A_13 = arith.mulf %add3A_11, %mul3A_12 : vector<4096x64xf32>
    %mul3A_14 = arith.constant 0.707106769 : f32
    %mul3A_15 = vector.broadcast %mul3A_14 : f32 to vector<4096x64xf32>
    %mul3A_16 = arith.mulf %add3A_11, %mul3A_15 : vector<4096x64xf32>
    %erf3A = math.erf %mul3A_16 : vector<4096x64xf32>
    %add3A_17 = arith.constant 1.000000e+00 : f32
    %add3A_18 = vector.broadcast %add3A_17 : f32 to vector<4096x64xf32>
    %add3A_19 = arith.addf %add3A_18, %erf3A : vector<4096x64xf32>
    %mul3A_20 = arith.mulf %mul3A_13, %add3A_19 : vector<4096x64xf32>
    %reduce_sum3A = arith.constant dense<0.000000e+00> : vector<4096xf32>
    %reduce_sum3A_21 = vector.multi_reduction <add>, %mul3A_20, %reduce_sum3A [1] : vector<4096x64xf32> to vector<4096xf32>
    %broadcast_in_dim3A = vector.shape_cast %reduce_sum3A_21 : vector<4096xf32> to vector<4096x1xf32>
    %div3A = arith.constant 6.400000e+01 : f32
    %div3A_22 = vector.broadcast %div3A : f32 to vector<4096x1xf32>
    %div3A_23 = arith.divf %broadcast_in_dim3A, %div3A_22 : vector<4096x1xf32>
    %sub3A = vector.broadcast %div3A_23 : vector<4096x1xf32> to vector<4096x64xf32>
    %sub3A_24 = arith.subf %mul3A_20, %sub3A : vector<4096x64xf32>
    %integer_pow3A = arith.mulf %sub3A_24, %sub3A_24 : vector<4096x64xf32>
    %reduce_sum3A_25 = arith.constant dense<0.000000e+00> : vector<4096xf32>
    %reduce_sum3A_26 = vector.multi_reduction <add>, %integer_pow3A, %reduce_sum3A_25 [1] : vector<4096x64xf32> to vector<4096xf32>
    %broadcast_in_dim3A_27 = vector.shape_cast %reduce_sum3A_26 : vector<4096xf32> to vector<4096x1xf32>
    %div3A_28 = arith.constant 6.400000e+01 : f32
    %div3A_29 = vector.broadcast %div3A_28 : f32 to vector<4096x1xf32>
    %div3A_30 = arith.divf %broadcast_in_dim3A_27, %div3A_29 : vector<4096x1xf32>
    %sub3A_31 = vector.broadcast %div3A_23 : vector<4096x1xf32> to vector<4096x64xf32>
    %sub3A_32 = arith.subf %mul3A_20, %sub3A_31 : vector<4096x64xf32>
    %add3A_33 = arith.constant 9.99999974E-6 : f32
    %add3A_34 = vector.broadcast %add3A_33 : f32 to vector<4096x1xf32>
    %add3A_35 = arith.addf %div3A_30, %add3A_34 : vector<4096x1xf32>
    %rsqrt3A = math.rsqrt %add3A_35 : vector<4096x1xf32>
    %mul3A_36 = vector.broadcast %rsqrt3A : vector<4096x1xf32> to vector<4096x64xf32>
    %mul3A_37 = arith.mulf %sub3A_32, %mul3A_36 : vector<4096x64xf32>
    %get3A_38 = arith.constant 0 : index
    %get3A_39 = arith.constant 0 : index
    %get3A_40 = vector.load %arg6[%get3A_38, %get3A_39] : memref<1x64xf32, #tpu.memory_space<vmem>>, vector<1x64xf32>
    %mul3A_41 = vector.broadcast %get3A_40 : vector<1x64xf32> to vector<4096x64xf32>
    %mul3A_42 = arith.mulf %mul3A_37, %mul3A_41 : vector<4096x64xf32>
    %get3A_43 = arith.constant 0 : index
    %get3A_44 = arith.constant 0 : index
    %get3A_45 = vector.load %arg7[%get3A_43, %get3A_44] : memref<1x64xf32, #tpu.memory_space<vmem>>, vector<1x64xf32>
    %add3A_46 = vector.broadcast %get3A_45 : vector<1x64xf32> to vector<4096x64xf32>
    %add3A_47 = arith.addf %mul3A_42, %add3A_46 : vector<4096x64xf32>
    %get3A_48 = arith.constant 0 : index
    %get3A_49 = arith.constant 0 : index
    %get3A_50 = vector.load %arg8[%get3A_48, %get3A_49] : memref<64x8xf32, #tpu.memory_space<vmem>>, vector<64x8xf32>
    %dot_general3A_51 = arith.constant dense<0.000000e+00> : vector<4096x8xf32>
    %dot_general3A_52 = tpu.matmul %add3A_47, %get3A_50, %dot_general3A_51 {dimension_numbers = #tpu.dot_dimension_numbers<[1], [0], [0], [1], [0, 0, 1, 1], [], []>, transpose_lhs_hint = false} : vector<4096x64xf32>, vector<64x8xf32>, vector<4096x8xf32> -> vector<4096x8xf32>
    %get3A_53 = arith.constant 0 : index
    %get3A_54 = arith.constant 0 : index
    %get3A_55 = arith.constant 0 : index
    %get3A_56 = vector.load %arg3[%get3A_53, %get3A_54, %get3A_55] : memref<1x4096x7xf32, #tpu.memory_space<vmem>>, vector<1x4096x7xf32>
    %get3A_57 = vector.shape_cast %get3A_56 : vector<1x4096x7xf32> to vector<4096x7xf32>
    %convert_element_type3A = arith.truncf %get3A_57 : vector<4096x7xf32> to vector<4096x7xbf16>
    %convert_element_type3A_58 = arith.extf %convert_element_type3A : vector<4096x7xbf16> to vector<4096x7xf32>
    %get3A_59 = arith.constant 0 : index
    %get3A_60 = arith.constant 0 : index
    %get3A_61 = vector.load %arg10[%get3A_59, %get3A_60] : memref<1x7xf32, #tpu.memory_space<vmem>>, vector<1x7xf32>
    %convert_element_type3A_62 = arith.truncf %get3A_61 : vector<1x7xf32> to vector<1x7xbf16>
    %convert_element_type3A_63 = arith.extf %convert_element_type3A_62 : vector<1x7xbf16> to vector<1x7xf32>
    %mul3A_64 = vector.broadcast %convert_element_type3A_63 : vector<1x7xf32> to vector<4096x7xf32>
    %mul3A_65 = arith.mulf %convert_element_type3A_58, %mul3A_64 : vector<4096x7xf32>
    %reduce_sum3A_66 = arith.constant dense<0.000000e+00> : vector<4096xf32>
    %reduce_sum3A_67 = vector.multi_reduction <add>, %mul3A_65, %reduce_sum3A_66 [1] : vector<4096x7xf32> to vector<4096xf32>
    %broadcast_in_dim3A_68 = vector.shape_cast %reduce_sum3A_67 : vector<4096xf32> to vector<4096x1xf32>
    %get3A_69 = arith.constant 0 : index
    %get3A_70 = arith.constant 0 : index
    %get3A_71 = vector.load %arg11[%get3A_69, %get3A_70] : memref<1x1xf32, #tpu.memory_space<vmem>>, vector<1x1xf32>
    %get3A_72 = vector.extract %get3A_71[0, 0] : f32 from vector<1x1xf32>
    %add3A_73 = vector.broadcast %get3A_72 : f32 to vector<4096x1xf32>
    %add3A_74 = arith.addf %broadcast_in_dim3A_68, %add3A_73 : vector<4096x1xf32>
    %iota3A = tpu.iota {dimensions = array<i32: 1>} : vector<1x8xi32>
    %eq3A = arith.constant 7 : i32
    %eq3A_75 = vector.broadcast %eq3A : i32 to vector<1x8xi32>
    %eq3A_76 = arith.cmpi eq, %iota3A, %eq3A_75 : vector<1x8xi32>
    %convert_element_type3A_77 = arith.extui %eq3A_76 : vector<1x8xi1> to vector<1x8xi32>
    %convert_element_type3A_78 = arith.sitofp %convert_element_type3A_77 : vector<1x8xi32> to vector<1x8xf32>
    %mul3A_79 = vector.broadcast %add3A_74 : vector<4096x1xf32> to vector<4096x8xf32>
    %mul3A_80 = vector.broadcast %convert_element_type3A_78 : vector<1x8xf32> to vector<4096x8xf32>
    %mul3A_81 = arith.mulf %mul3A_79, %mul3A_80 : vector<4096x8xf32>
    %add3A_82 = arith.addf %dot_general3A_52, %mul3A_81 : vector<4096x8xf32>
    %transpose3A = tpu.transpose %add3A_82, [1, 0] : vector<4096x8xf32> -> vector<8x4096xf32>
    %mul3A_83 = arith.constant 4096 : i32
    %mul3A_84 = arith.muli %arg1, %mul3A_83 : i32
    %swap3A = arith.constant 0 : index
    %swap3A_85 = arith.index_cast %mul3A_84 : i32 to index
    %swap3A_86 = vector.load %arg17[%swap3A, %swap3A_85] : memref<8x8192xf32, #tpu.memory_space<vmem>>, vector<8x4096xf32>
    tpu.vector_store %arg17[%swap3A, %swap3A_85], %transpose3A {strides = array<i32>} : memref<8x8192xf32, #tpu.memory_space<vmem>>, vector<8x4096xf32>,
    %eq3A_87 = arith.constant 1 : i32
    %eq3A_88 = arith.cmpi eq, %arg1, %eq3A_87 : i32
    %convert_element_type3A_89 = arith.extui %eq3A_88 : i1 to i32
    %cond3A = arith.constant 0 : i32
    %cond3A_90 = arith.cmpi ne, %convert_element_type3A_89, %cond3A : i32
    scf.if %cond3A_90 {
      %get3A_91 = arith.constant 0 : index
      %get3A_92 = arith.constant 0 : index
      %get3A_93 = vector.load %arg17[%get3A_91, %get3A_92] : memref<8x8192xf32, #tpu.memory_space<vmem>>, vector<8x8192xf32>
      %iota3A_94 = tpu.iota {dimensions = array<i32: 1>} : vector<1x8192xi32>
      %broadcast_in_dim3A_95 = arith.constant 0.000000e+00 : f32
      %broadcast_in_dim3A_96 = vector.broadcast %broadcast_in_dim3A_95 : f32 to vector<1x8192xf32>
      %get3A_97 = arith.constant 0 : index
      %get3A_98 = arith.constant 0 : index
      %get3A_99 = vector.load %arg9[%get3A_97, %get3A_98] : memref<1x1xf32, #tpu.memory_space<vmem>>, vector<1x1xf32>
      %get3A_100 = vector.extract %get3A_99[0, 0] : f32 from vector<1x1xf32>
      %add3A_101 = vector.broadcast %get3A_100 : f32 to vector<1x8192xf32>
      %add3A_102 = arith.addf %broadcast_in_dim3A_96, %add3A_101 : vector<1x8192xf32>
      %slice3A = vector.extract_strided_slice %get3A_93 {offsets = [0, 0], sizes = [1, 8192], strides = [1, 1]} : vector<8x8192xf32> to vector<1x8192xf32>
      %roll3A = arith.constant 3 : i32
      %roll3A_103 = tpu.dynamic_rotate %slice3A by %roll3A dim 1 : vector<1x8192xf32>, i32 -> vector<1x8192xf32>
      %lt3A = arith.constant 3 : i32
      %lt3A_104 = vector.broadcast %lt3A : i32 to vector<1x8192xi32>
      %lt3A_105 = arith.cmpi slt, %iota3A_94, %lt3A_104 : vector<1x8192xi32>
      %jit3A = arith.constant 0.000000e+00 : f32
      %broadcast_in_dim3A_106 = vector.broadcast %jit3A : f32 to vector<1x8192xf32>
      %select_n3A = arith.select %lt3A_105, %broadcast_in_dim3A_106, %roll3A_103 : vector<1x8192xi1>, vector<1x8192xf32>
      %add3A_107 = arith.addf %add3A_102, %select_n3A : vector<1x8192xf32>
      %slice3A_108 = vector.extract_strided_slice %get3A_93 {offsets = [1, 0], sizes = [1, 8192], strides = [1, 1]} : vector<8x8192xf32> to vector<1x8192xf32>
      %roll3A_109 = arith.constant 2 : i32
      %roll3A_110 = tpu.dynamic_rotate %slice3A_108 by %roll3A_109 dim 1 : vector<1x8192xf32>, i32 -> vector<1x8192xf32>
      %lt3A_111 = arith.constant 2 : i32
      %lt3A_112 = vector.broadcast %lt3A_111 : i32 to vector<1x8192xi32>
      %lt3A_113 = arith.cmpi slt, %iota3A_94, %lt3A_112 : vector<1x8192xi32>
      %jit3A_114 = arith.constant 0.000000e+00 : f32
      %broadcast_in_dim3A_115 = vector.broadcast %jit3A_114 : f32 to vector<1x8192xf32>
      %select_n3A_116 = arith.select %lt3A_113, %broadcast_in_dim3A_115, %roll3A_110 : vector<1x8192xi1>, vector<1x8192xf32>
      %add3A_117 = arith.addf %add3A_107, %select_n3A_116 : vector<1x8192xf32>
      %slice3A_118 = vector.extract_strided_slice %get3A_93 {offsets = [2, 0], sizes = [1, 8192], strides = [1, 1]} : vector<8x8192xf32> to vector<1x8192xf32>
      %roll3A_119 = arith.constant 1 : i32
      %roll3A_120 = tpu.dynamic_rotate %slice3A_118 by %roll3A_119 dim 1 : vector<1x8192xf32>, i32 -> vector<1x8192xf32>
      %lt3A_121 = arith.constant 1 : i32
      %lt3A_122 = vector.broadcast %lt3A_121 : i32 to vector<1x8192xi32>
      %lt3A_123 = arith.cmpi slt, %iota3A_94, %lt3A_122 : vector<1x8192xi32>
      %jit3A_124 = arith.constant 0.000000e+00 : f32
      %broadcast_in_dim3A_125 = vector.broadcast %jit3A_124 : f32 to vector<1x8192xf32>
      %select_n3A_126 = arith.select %lt3A_123, %broadcast_in_dim3A_125, %roll3A_120 : vector<1x8192xi1>, vector<1x8192xf32>
      %add3A_127 = arith.addf %add3A_117, %select_n3A_126 : vector<1x8192xf32>
      %slice3A_128 = vector.extract_strided_slice %get3A_93 {offsets = [3, 0], sizes = [1, 8192], strides = [1, 1]} : vector<8x8192xf32> to vector<1x8192xf32>
      %roll3A_129 = arith.constant 0 : i32
      %roll3A_130 = tpu.dynamic_rotate %slice3A_128 by %roll3A_129 dim 1 : vector<1x8192xf32>, i32 -> vector<1x8192xf32>
      %add3A_131 = arith.addf %add3A_127, %roll3A_130 : vector<1x8192xf32>
      %slice3A_132 = vector.extract_strided_slice %get3A_93 {offsets = [4, 0], sizes = [1, 8192], strides = [1, 1]} : vector<8x8192xf32> to vector<1x8192xf32>
      %roll3A_133 = arith.constant 8191 : i32
      %roll3A_134 = tpu.dynamic_rotate %slice3A_132 by %roll3A_133 dim 1 : vector<1x8192xf32>, i32 -> vector<1x8192xf32>
      %ge3A = arith.constant 8191 : i32
      %ge3A_135 = vector.broadcast %ge3A : i32 to vector<1x8192xi32>
      %ge3A_136 = arith.cmpi sge, %iota3A_94, %ge3A_135 : vector<1x8192xi32>
      %jit3A_137 = arith.constant 0.000000e+00 : f32
      %broadcast_in_dim3A_138 = vector.broadcast %jit3A_137 : f32 to vector<1x8192xf32>
      %select_n3A_139 = arith.select %ge3A_136, %broadcast_in_dim3A_138, %roll3A_134 : vector<1x8192xi1>, vector<1x8192xf32>
      %add3A_140 = arith.addf %add3A_131, %select_n3A_139 : vector<1x8192xf32>
      %slice3A_141 = vector.extract_strided_slice %get3A_93 {offsets = [5, 0], sizes = [1, 8192], strides = [1, 1]} : vector<8x8192xf32> to vector<1x8192xf32>
      %roll3A_142 = arith.constant 8190 : i32
      %roll3A_143 = tpu.dynamic_rotate %slice3A_141 by %roll3A_142 dim 1 : vector<1x8192xf32>, i32 -> vector<1x8192xf32>
      %ge3A_144 = arith.constant 8190 : i32
      %ge3A_145 = vector.broadcast %ge3A_144 : i32 to vector<1x8192xi32>
      %ge3A_146 = arith.cmpi sge, %iota3A_94, %ge3A_145 : vector<1x8192xi32>
      %jit3A_147 = arith.constant 0.000000e+00 : f32
      %broadcast_in_dim3A_148 = vector.broadcast %jit3A_147 : f32 to vector<1x8192xf32>
      %select_n3A_149 = arith.select %ge3A_146, %broadcast_in_dim3A_148, %roll3A_143 : vector<1x8192xi1>, vector<1x8192xf32>
      %add3A_150 = arith.addf %add3A_140, %select_n3A_149 : vector<1x8192xf32>
      %slice3A_151 = vector.extract_strided_slice %get3A_93 {offsets = [6, 0], sizes = [1, 8192], strides = [1, 1]} : vector<8x8192xf32> to vector<1x8192xf32>
      %roll3A_152 = arith.constant 8189 : i32
      %roll3A_153 = tpu.dynamic_rotate %slice3A_151 by %roll3A_152 dim 1 : vector<1x8192xf32>, i32 -> vector<1x8192xf32>
      %ge3A_154 = arith.constant 8189 : i32
      %ge3A_155 = vector.broadcast %ge3A_154 : i32 to vector<1x8192xi32>
      %ge3A_156 = arith.cmpi sge, %iota3A_94, %ge3A_155 : vector<1x8192xi32>
      %jit3A_157 = arith.constant 0.000000e+00 : f32
      %broadcast_in_dim3A_158 = vector.broadcast %jit3A_157 : f32 to vector<1x8192xf32>
      %select_n3A_159 = arith.select %ge3A_156, %broadcast_in_dim3A_158, %roll3A_153 : vector<1x8192xi1>, vector<1x8192xf32>
      %add3A_160 = arith.addf %add3A_150, %select_n3A_159 : vector<1x8192xf32>
      %get3A_161 = arith.constant 0 : index
      %get3A_162 = arith.constant 0 : index
      %get3A_163 = vector.load %arg12[%get3A_161, %get3A_162] : memref<1x1xf32, #tpu.memory_space<vmem>>, vector<1x1xf32>
      %get3A_164 = vector.extract %get3A_163[0, 0] : f32 from vector<1x1xf32>
      %logistic3A = arith.negf %get3A_164 : f32
      %logistic3A_165 = math.exp %logistic3A : f32
      %logistic3A_166 = arith.constant 1.000000e+00 : f32
      %logistic3A_167 = arith.addf %logistic3A_166, %logistic3A_165 : f32
      %logistic3A_168 = arith.divf %logistic3A_166, %logistic3A_167 : f32
      %mul3A_169 = vector.broadcast %logistic3A_168 : f32 to vector<1x8192xf32>
      %mul3A_170 = arith.mulf %mul3A_169, %add3A_160 : vector<1x8192xf32>
      %sub3A_171 = arith.constant 1.000000e+00 : f32
      %sub3A_172 = arith.subf %sub3A_171, %logistic3A_168 : f32
      %slice3A_173 = vector.extract_strided_slice %get3A_93 {offsets = [7, 0], sizes = [1, 8192], strides = [1, 1]} : vector<8x8192xf32> to vector<1x8192xf32>
      %mul3A_174 = vector.broadcast %sub3A_172 : f32 to vector<1x8192xf32>
      %mul3A_175 = arith.mulf %mul3A_174, %slice3A_173 : vector<1x8192xf32>
      %add3A_176 = arith.addf %mul3A_170, %mul3A_175 : vector<1x8192xf32>
      %tanh3A = math.tanh %add3A_176 : vector<1x8192xf32>
      %get3A_177 = arith.constant 0 : index
      %get3A_178 = arith.constant 0 : index
      %get3A_179 = arith.constant 0 : index
      %get3A_180 = vector.load %arg2[%get3A_177, %get3A_178, %get3A_179] : memref<1x1x8192xf32, #tpu.memory_space<vmem>>, vector<1x1x8192xf32>
      %get3A_181 = vector.shape_cast %get3A_180 : vector<1x1x8192xf32> to vector<1x8192xf32>
      %gt3A = arith.constant 0.000000e+00 : f32
      %gt3A_182 = vector.broadcast %gt3A : f32 to vector<1x8192xf32>
      %gt3A_183 = arith.cmpf ogt, %get3A_181, %gt3A_182 : vector<1x8192xf32>
      %jit3A_184 = arith.constant 0xFF800000 : f32
      %broadcast_in_dim3A_185 = vector.broadcast %jit3A_184 : f32 to vector<1x8192xf32>
      %select_n3A_186 = arith.select %gt3A_183, %tanh3A, %broadcast_in_dim3A_185 : vector<1x8192xi1>, vector<1x8192xf32>
      %reduce_max3A = vector.shape_cast %select_n3A_186 : vector<1x8192xf32> to vector<1x1x8192xf32>
      %reduce_max3A_187 = arith.constant dense<0xFF800000> : vector<1xf32>
      %reduce_max3A_188 = vector.multi_reduction <maximumf>, %reduce_max3A, %reduce_max3A_187 [1, 2] : vector<1x1x8192xf32> to vector<1xf32>
      %reduce_max3A_189 = vector.shape_cast %reduce_max3A_188 : vector<1xf32> to vector<1x1x1xf32>
      %reduce_max3A_190 = vector.extract %reduce_max3A_189[0, 0, 0] : f32 from vector<1x1x1xf32>
      %sub3A_191 = vector.broadcast %reduce_max3A_190 : f32 to vector<1x8192xf32>
      %sub3A_192 = arith.subf %select_n3A_186, %sub3A_191 : vector<1x8192xf32>
      %exp3A = math.exp %sub3A_192 : vector<1x8192xf32>
      %reduce_sum3A_193 = vector.shape_cast %exp3A : vector<1x8192xf32> to vector<1x1x8192xf32>
      %reduce_sum3A_194 = arith.constant dense<0.000000e+00> : vector<1xf32>
      %reduce_sum3A_195 = vector.multi_reduction <add>, %reduce_sum3A_193, %reduce_sum3A_194 [1, 2] : vector<1x1x8192xf32> to vector<1xf32>
      %reduce_sum3A_196 = vector.shape_cast %reduce_sum3A_195 : vector<1xf32> to vector<1x1x1xf32>
      %reduce_sum3A_197 = vector.extract %reduce_sum3A_196[0, 0, 0] : f32 from vector<1x1x1xf32>
      %div3A_198 = vector.broadcast %reduce_sum3A_197 : f32 to vector<1x8192xf32>
      %div3A_199 = arith.divf %exp3A, %div3A_198 : vector<1x8192xf32>
      %swap3A_200 = arith.constant 0 : index
      %swap3A_201 = arith.constant 0 : index
      %swap3A_202 = arith.constant 0 : index
      %swap3A_203 = vector.load %arg14[%swap3A_200, %swap3A_201, %swap3A_202] : memref<1x1x8192xf32, #tpu.memory_space<vmem>>, vector<1x1x8192xf32>
      %swap3A_204 = vector.shape_cast %swap3A_203 : vector<1x1x8192xf32> to vector<1x8192xf32>
      %swap3A_205 = vector.shape_cast %div3A_199 : vector<1x8192xf32> to vector<1x1x8192xf32>
      tpu.vector_store %arg14[%swap3A_200, %swap3A_201, %swap3A_202], %swap3A_205 {strides = array<i32>} : memref<1x1x8192xf32, #tpu.memory_space<vmem>>, vector<1x1x8192xf32>,
      %bitcast_convert_type3A = tpu.bitcast %div3A_199 : vector<1x8192xf32> -> vector<1x8192xi32>
      %jit3A_206 = arith.constant -1 : i32
      %broadcast_in_dim3A_207 = vector.broadcast %jit3A_206 : i32 to vector<1x8192xi32>
      %select_n3A_208 = arith.select %gt3A_183, %bitcast_convert_type3A, %broadcast_in_dim3A_207 : vector<1x8192xi1>, vector<1x8192xi32>
      %scan3A = arith.constant 0 : i32
      %scan3A_209 = arith.constant 2147483647 : i32
      %scan3A_210 = arith.constant 0 : i32
      %scan3A_211 = arith.constant 32 : i32
      %scan3A_212 = arith.addi %scan3A_210, %scan3A_211 : i32
      %scan3A_213 = arith.constant 1 : i32
      %scan3A_214:2 = scf.for %scan3A_242 = %scan3A_210 to %scan3A_212 step %scan3A_213 iter_args(%scan3A_243 = %scan3A, %scan3A_244 = %scan3A_209) -> (i32, i32)  : i32 {
        %sub3A_245 = arith.subi %scan3A_244, %scan3A_243 : i32
        %jit3A_246 = arith.constant 2 : i32
        %div3A_247 = arith.divsi %sub3A_245, %jit3A_246 : i32
        %sign3A = arith.constant 0 : i32
        %sign3A_248 = arith.cmpi sgt, %sub3A_245, %sign3A : i32
        %sign3A_249 = arith.extui %sign3A_248 : i1 to i32
        %sign3A_250 = arith.constant 0 : i32
        %sign3A_251 = arith.cmpi slt, %sub3A_245, %sign3A_250 : i32
        %sign3A_252 = arith.extui %sign3A_251 : i1 to i32
        %sign3A_253 = arith.subi %sign3A_249, %sign3A_252 : i32
        %sign3A_254 = arith.constant 0 : i32
        %sign3A_255 = arith.cmpi sgt, %jit3A_246, %sign3A_254 : i32
        %sign3A_256 = arith.extui %sign3A_255 : i1 to i32
        %sign3A_257 = arith.constant 0 : i32
        %sign3A_258 = arith.cmpi slt, %jit3A_246, %sign3A_257 : i32
        %sign3A_259 = arith.extui %sign3A_258 : i1 to i32
        %sign3A_260 = arith.subi %sign3A_256, %sign3A_259 : i32
        %ne3A = arith.cmpi ne, %sign3A_253, %sign3A_260 : i32
        %rem3A = arith.remsi %sub3A_245, %jit3A_246 : i32
        %ne3A_261 = arith.constant 0 : i32
        %ne3A_262 = arith.cmpi ne, %rem3A, %ne3A_261 : i32
        %and3A = arith.andi %ne3A, %ne3A_262 : i1
        %sub3A_263 = arith.constant 1 : i32
        %sub3A_264 = arith.subi %div3A_247, %sub3A_263 : i32
        %select_n3A_265 = arith.select %and3A, %sub3A_264, %div3A_247 : i32
        %add3A_266 = arith.addi %scan3A_243, %select_n3A_265 : i32
        %add3A_267 = arith.constant 1 : i32
        %add3A_268 = arith.addi %add3A_266, %add3A_267 : i32
        %ge3A_269 = vector.broadcast %add3A_268 : i32 to vector<1x8192xi32>
        %ge3A_270 = arith.cmpi sge, %select_n3A_208, %ge3A_269 : vector<1x8192xi32>
        %convert_element_type3A_271 = arith.extui %ge3A_270 : vector<1x8192xi1> to vector<1x8192xi32>
        %reduce_sum3A_272 = vector.shape_cast %convert_element_type3A_271 : vector<1x8192xi32> to vector<1x1x8192xi32>
        %reduce_sum3A_273 = arith.constant dense<0> : vector<1xi32>
        %reduce_sum3A_274 = vector.multi_reduction <add>, %reduce_sum3A_272, %reduce_sum3A_273 [1, 2] : vector<1x1x8192xi32> to vector<1xi32>
        %reduce_sum3A_275 = vector.shape_cast %reduce_sum3A_274 : vector<1xi32> to vector<1x1x1xi32>
        %reduce_sum3A_276 = vector.extract %reduce_sum3A_275[0, 0, 0] : i32 from vector<1x1x1xi32>
        %ge3A_277 = arith.constant 1024 : i32
        %ge3A_278 = arith.cmpi sge, %reduce_sum3A_276, %ge3A_277 : i32
        %select_n3A_279 = arith.select %ge3A_278, %add3A_268, %scan3A_243 : i32
        %sub3A_280 = arith.constant 1 : i32
        %sub3A_281 = arith.subi %add3A_268, %sub3A_280 : i32
        %select_n3A_282 = arith.select %ge3A_278, %scan3A_244, %sub3A_281 : i32
        scf.yield %select_n3A_279, %select_n3A_282 : i32, i32
      }
      %gt3A_215 = vector.broadcast %scan3A_214#0 : i32 to vector<1x8192xi32>
      %gt3A_216 = arith.cmpi sgt, %select_n3A_208, %gt3A_215 : vector<1x8192xi32>
      %convert_element_type3A_217 = arith.extui %gt3A_216 : vector<1x8192xi1> to vector<1x8192xi32>
      %reduce_sum3A_218 = vector.shape_cast %convert_element_type3A_217 : vector<1x8192xi32> to vector<1x1x8192xi32>
      %reduce_sum3A_219 = arith.constant dense<0> : vector<1xi32>
      %reduce_sum3A_220 = vector.multi_reduction <add>, %reduce_sum3A_218, %reduce_sum3A_219 [1, 2] : vector<1x1x8192xi32> to vector<1xi32>
      %reduce_sum3A_221 = vector.shape_cast %reduce_sum3A_220 : vector<1xi32> to vector<1x1x1xi32>
      %reduce_sum3A_222 = vector.extract %reduce_sum3A_221[0, 0, 0] : i32 from vector<1x1x1xi32>
      %sub3A_223 = arith.constant 1024 : i32
      %sub3A_224 = arith.subi %sub3A_223, %reduce_sum3A_222 : i32
      %bitcast_convert_type3A_225 = arith.bitcast %scan3A_214#0 : i32 to f32
      %broadcast_in_dim3A_226 = arith.constant 0.000000e+00 : f32
      %broadcast_in_dim3A_227 = vector.broadcast %broadcast_in_dim3A_226 : f32 to vector<1x1x16xf32>
      %add3A_228 = vector.broadcast %bitcast_convert_type3A_225 : f32 to vector<1x1x16xf32>
      %add3A_229 = arith.addf %broadcast_in_dim3A_227, %add3A_228 : vector<1x1x16xf32>
      %swap3A_230 = arith.constant 0 : index
      %swap3A_231 = arith.constant 0 : index
      %swap3A_232 = arith.constant 0 : index
      %swap3A_233 = vector.load %arg15[%swap3A_230, %swap3A_231, %swap3A_232] : memref<1x1x16xf32, #tpu.memory_space<vmem>>, vector<1x1x16xf32>
      tpu.vector_store %arg15[%swap3A_230, %swap3A_231, %swap3A_232], %add3A_229 {strides = array<i32>} : memref<1x1x16xf32, #tpu.memory_space<vmem>>, vector<1x1x16xf32>,
      %broadcast_in_dim3A_234 = arith.constant 0 : i32
      %broadcast_in_dim3A_235 = vector.broadcast %broadcast_in_dim3A_234 : i32 to vector<1x1x16xi32>
      %add3A_236 = vector.broadcast %sub3A_224 : i32 to vector<1x1x16xi32>
      %add3A_237 = arith.addi %broadcast_in_dim3A_235, %add3A_236 : vector<1x1x16xi32>
      %swap3A_238 = arith.constant 0 : index
      %swap3A_239 = arith.constant 0 : index
      %swap3A_240 = arith.constant 0 : index
      %swap3A_241 = vector.load %arg16[%swap3A_238, %swap3A_239, %swap3A_240] : memref<1x1x16xi32, #tpu.memory_space<vmem>>, vector<1x1x16xi32>
      tpu.vector_store %arg16[%swap3A_238, %swap3A_239, %swap3A_240], %add3A_237 {strides = array<i32>} : memref<1x1x16xi32, #tpu.memory_space<vmem>>, vector<1x1x16xi32>,
    } else {
    }
    return
  }
  func.func @transform_0(%arg0: i32, %arg1: i32) -> (i32, i32, i32) {
    %c0_i32 = arith.constant 0 : i32
    %c0_i32_0 = arith.constant 0 : i32
    %c0_i32_1 = arith.constant 0 : i32
    return %arg0, %c0_i32, %c0_i32_0 : i32, i32, i32
  }
  func.func @transform_1(%arg0: i32, %arg1: i32) -> (i32, i32, i32) {
    %c0_i32 = arith.constant 0 : i32
    %c0_i32_0 = arith.constant 0 : i32
    return %arg0, %arg1, %c0_i32 : i32, i32, i32
  }
  func.func @transform_2(%arg0: i32, %arg1: i32) -> (i32, i32) {
    %c0_i32 = arith.constant 0 : i32
    %c0_i32_0 = arith.constant 0 : i32
    %c0_i32_1 = arith.constant 0 : i32
    return %c0_i32, %c0_i32_0 : i32, i32
  }
  func.func @transform_3(%arg0: i32, %arg1: i32) -> (i32, i32) {
    %c0_i32 = arith.constant 0 : i32
    %c0_i32_0 = arith.constant 0 : i32
    %c0_i32_1 = arith.constant 0 : i32
    return %c0_i32, %c0_i32_0 : i32, i32
  }
  func.func @transform_4(%arg0: i32, %arg1: i32) -> (i32, i32) {
    %c0_i32 = arith.constant 0 : i32
    %c0_i32_0 = arith.constant 0 : i32
    %c0_i32_1 = arith.constant 0 : i32
    return %c0_i32, %c0_i32_0 : i32, i32
  }
  func.func @transform_5(%arg0: i32, %arg1: i32) -> (i32, i32) {
    %c0_i32 = arith.constant 0 : i32
    %c0_i32_0 = arith.constant 0 : i32
    %c0_i32_1 = arith.constant 0 : i32
    return %c0_i32, %c0_i32_0 : i32, i32
  }
  func.func @transform_6(%arg0: i32, %arg1: i32) -> (i32, i32) {
    %c0_i32 = arith.constant 0 : i32
    %c0_i32_0 = arith.constant 0 : i32
    %c0_i32_1 = arith.constant 0 : i32
    return %c0_i32, %c0_i32_0 : i32, i32
  }
  func.func @transform_7(%arg0: i32, %arg1: i32) -> (i32, i32) {
    %c0_i32 = arith.constant 0 : i32
    %c0_i32_0 = arith.constant 0 : i32
    %c0_i32_1 = arith.constant 0 : i32
    return %c0_i32, %c0_i32_0 : i32, i32
  }
  func.func @transform_8(%arg0: i32, %arg1: i32) -> (i32, i32) {
    %c0_i32 = arith.constant 0 : i32
    %c0_i32_0 = arith.constant 0 : i32
    %c0_i32_1 = arith.constant 0 : i32
    return %c0_i32, %c0_i32_0 : i32, i32
  }
  func.func @transform_9(%arg0: i32, %arg1: i32) -> (i32, i32) {
    %c0_i32 = arith.constant 0 : i32
    %c0_i32_0 = arith.constant 0 : i32
    %c0_i32_1 = arith.constant 0 : i32
    return %c0_i32, %c0_i32_0 : i32, i32
  }
  func.func @transform_10(%arg0: i32, %arg1: i32) -> (i32, i32) {
    %c0_i32 = arith.constant 0 : i32
    %c0_i32_0 = arith.constant 0 : i32
    %c0_i32_1 = arith.constant 0 : i32
    return %c0_i32, %c0_i32_0 : i32, i32
  }
  func.func @transform_11(%arg0: i32, %arg1: i32) -> (i32, i32, i32) {
    %c0_i32 = arith.constant 0 : i32
    %c0_i32_0 = arith.constant 0 : i32
    return %arg0, %arg1, %c0_i32 : i32, i32, i32
  }
  func.func @transform_12(%arg0: i32, %arg1: i32) -> (i32, i32, i32) {
    %c0_i32 = arith.constant 0 : i32
    %c0_i32_0 = arith.constant 0 : i32
    %c0_i32_1 = arith.constant 0 : i32
    return %arg0, %c0_i32, %c0_i32_0 : i32, i32, i32
  }
  func.func @transform_13(%arg0: i32, %arg1: i32) -> (i32, i32, i32) {
    %c0_i32 = arith.constant 0 : i32
    %c0_i32_0 = arith.constant 0 : i32
    %c0_i32_1 = arith.constant 0 : i32
    return %arg0, %c0_i32, %c0_i32_0 : i32, i32, i32
  }
  func.func @transform_14(%arg0: i32, %arg1: i32) -> (i32, i32, i32) {
    %c0_i32 = arith.constant 0 : i32
    %c0_i32_0 = arith.constant 0 : i32
    %c0_i32_1 = arith.constant 0 : i32
    return %arg0, %c0_i32, %c0_i32_0 : i32, i32, i32
  }
}

</mosaic_0001>

<sc_bundles>
// kernel: kernel.4.cloned.1.call-start
scs
__scs_entry_jumppad:
0x0: {  	(pc) =	sbr.rel $0x88, $3  }
0x1: {  	(tag) =	ssettag $0x0;
	lr =	simm.s32 $0x1  }
0x2: {  	[smem:$0x3F95] =	sst lr;
	_ =	strace $0xD0000000  }
0x3: {  	_ = 	snop  }
0x4: {  	_ = 	snop  }
0x5: {  	_ = 	snop  }
0x6: {  	_ = 	snop  }
0x7: {  	_ = 	snop  }
__scs_overlays_trampoline_lowered:
0x8: {  	[smem:$0x3FA4] =	sst s0  }
0x9: {  	[smem:$0x3FA5] =	sst s1  }
0xa: {  	[smem:$0x3FA6] =	sst s2  }
0xb: {  	[smem:$0x3FA7] =	sst s3  }
0xc: {  	[smem:$0x3FA8] =	sst s4  }
0xd: {  	[smem:$0x3FA9] =	sst s5  }
0xe: {  	[smem:$0x3FAA] =	sst s6  }
0xf: {  	[smem:$0x3FAB] =	sst s7  }
0x10: {  	[smem:$0x3FAC] =	sst s8  }
0x11: {  	[smem:$0x3FAD] =	sst s9;
	s0 =	simm.s32 @!p0 $0x0  }
0x12: {  	s1 =	sld [smem:$0x3F93];
	s0 =	simm.s32 @p0 $0x1  }
0x13: {  	[smem:$0x3FAE] =	sst s0;
	s0 =	simm.s32 @!p1 $0x0  }
0x14: {  	s2 =	sld [smem:$0x3F92];
	s0 =	simm.s32 @p1 $0x1  }
0x15: {  	[smem:$0x3FAF] =	sst s0;
	s0 =	simm.s32 @!p2 $0x0  }
0x16: {  	s3 =	sld [smem:$0x3FDB];
	s0 =	simm.s32 @p2 $0x1  }
0x17: {  	s4 =	simm.s32 $0x1BF5;
	[smem:$0x3FB1] =	sst s0  }
0x18: {  	s0 =	sld [smem:$0x3F94];
	_ =	swait.ge [sflag:s4], $0x0  }
0x19: {  	s7 =	sld [smem:$0x3F95]  }
0x1a: {  	s8 =	sadd.s32 $0xFFFFE003, lr  }
0x1b: {  	s9 =	sadd.s32 $0xFFFFFEF7, lr;
	s5 =	simm.s32 $0xFFFFFFFF;
	p2 =	slt.u32 s8, $0xFFFFF086  }
0x1c: {  	p1 =	slt.u32 s9, $0xF7A;
	s5 =	simm.s32 @!p2 $0x0  }
0x1d: {  	s5 =	simm.s32 @p1 $0x1;
	p0 =	seq.s32 s7, s2  }
0x1e: {  	s7 =	smul.u32 @!p0 $0xF7A, s2;
	p2 =	seq.s32 @!p0 s5, $0x0  }
0x1f: {  	s9 =	smul.u32 $0xF7A, s1;
	s8 =	simm.s32 @!p0 $0x1BF5;
	p2 =	por !p2, p0  }
0x20: {  	[sflag:s8] =	ssyncset.s32 @!p0 $0xFFFFF086;
	s6 =	sadd.s32 @!p0 s3, s7;
	s7 =	simm.s32 @!p0 $0x108  }
0x21: {  	s3 =	sadd.s32 s3, s9;
	s6 =	sadd.s32 @!p0 $0x88, s6;
	s7 =	simm.s32 @p2 $0x1082  }
0x22: {  	[simem:s7], [sflag:s8] =	dma.local @!p0 [hbm:s6], $0xF7A  }
0x23: {  	s9 =	sor.u32 $0xD0000000, s2;
	s6 =	simm.s32 $0x108;
	_ =	swait.ge @!p0 [sflag:s8], $0x0  }
0x24: {  	s3 =	sadd.s32 $0x88, s3;
	s6 =	simm.s32 @!p1 $0x1082;
	[sflag:s4] =	ssyncset.s32 $0xFFFFF086  }
0x25: {  	[simem:s6], [sflag:s4] =	dma.local [hbm:s3], $0xF7A  }
0x26: {  	[smem:$0x3F95] =	sst s1;
	(tag) =	ssettag s2;
	_ =	strace s9  }
0x27: {  	s1 =	sld [smem:$0x3FA5]  }
0x28: {  	s2 =	sld [smem:$0x3FA6]  }
0x29: {  	s4 =	sld [smem:$0x3FA8]  }
0x2a: {  	p0 =	seq.s32 s5, $0x0;
	s5 =	sld [smem:$0x3FA9]  }
0x2b: {  	s6 =	sld [smem:$0x3FAA]  }
0x2c: {  	s7 =	sld [smem:$0x3FAB]  }
0x2d: {  	s3 =	simm.s32 $0x108;
	s8 =	sld [smem:$0x3FAC]  }
0x2e: {  	s3 =	simm.s32 @!p0 $0x1082;
	s9 =	sld [smem:$0x3FAD]  }
0x2f: {  	lr =	sadd.s32 s0, s3;
	s0 =	sld [smem:$0x3FA4]  }
0x30: {  	s3 =	sld [smem:$0x3FA7]  }
0x31: {  	[smem:$0x3FB0] =	sst s10  }
0x32: {  	s10 =	sld [smem:$0x3FAE];
	_ =	sdelay $0x3  }
0x33: {  	p0 =	seq.s32 s10, $0x1;
	s10 =	sld [smem:$0x3FB0];
	_ =	sdelay $0x3  }
0x34: {  	[smem:$0x3FB0] =	sst s10  }
0x35: {  	s10 =	sld [smem:$0x3FAF];
	_ =	sdelay $0x3  }
0x36: {  	p1 =	seq.s32 s10, $0x1;
	s10 =	sld [smem:$0x3FB0];
	_ =	sdelay $0x3  }
0x37: {  	[smem:$0x3FB0] =	sst s10  }
0x38: {  	s10 =	sld [smem:$0x3FB1]  }
0x39: {  	_ = 	snop;
	(pc) =	sbr.ind lr, $3  }
0x3a: {  	_ = 	snop  }
0x3b: {  	_ = 	snop  }
0x3c: {  	p2 =	seq.s32 s10, $0x1;
	s10 =	sld [smem:$0x3FB0]  }
0x3d: {  	_ =	shalt  }
0x3e: {  	_ =	shalt  }
0x3f: {  	_ =	shalt  }
0x40: {  	_ =	shalt  }
0x41: {  	_ =	shalt  }
0x42: {  	_ =	shalt  }
0x43: {  	_ =	shalt  }
0x44: {  	_ =	shalt  }
0x45: {  	_ =	shalt  }
0x46: {  	_ =	shalt  }
0x47: {  	_ =	shalt  }
0x48: {  	_ =	shalt  }
0x49: {  	_ =	shalt  }
0x4a: {  	_ =	shalt  }
0x4b: {  	_ =	shalt  }
0x4c: {  	_ =	shalt  }
0x4d: {  	_ =	shalt  }
0x4e: {  	_ =	shalt  }
0x4f: {  	_ =	shalt  }
0x50: {  	_ =	shalt  }
0x51: {  	_ =	shalt  }
0x52: {  	_ =	shalt  }
0x53: {  	_ =	shalt  }
0x54: {  	_ =	shalt  }
0x55: {  	_ =	shalt  }
0x56: {  	_ =	shalt  }
0x57: {  	_ =	shalt  }
0x58: {  	_ =	shalt  }
0x59: {  	_ =	shalt  }
0x5a: {  	_ =	shalt  }
0x5b: {  	_ =	shalt  }
0x5c: {  	_ =	shalt  }
0x5d: {  	_ =	shalt  }
0x5e: {  	_ =	shalt  }
0x5f: {  	_ =	shalt  }
0x60: {  	_ =	shalt  }
0x61: {  	_ =	shalt  }
0x62: {  	_ =	shalt  }
0x63: {  	_ =	shalt  }
0x64: {  	_ =	shalt  }
0x65: {  	_ =	shalt  }
0x66: {  	_ =	shalt  }
0x67: {  	_ =	shalt  }
0x68: {  	_ =	shalt  }
0x69: {  	_ =	shalt  }
0x6a: {  	_ =	shalt  }
0x6b: {  	_ =	shalt  }
0x6c: {  	_ =	shalt  }
0x6d: {  	_ =	shalt  }
0x6e: {  	_ =	shalt  }
0x6f: {  	_ =	shalt  }
0x70: {  	_ =	shalt  }
0x71: {  	_ =	shalt  }
0x72: {  	_ =	shalt  }
0x73: {  	_ =	shalt  }
0x74: {  	_ =	shalt  }
0x75: {  	_ =	shalt  }
0x76: {  	_ =	shalt  }
0x77: {  	_ =	shalt  }
0x78: {  	_ =	shalt  }
0x79: {  	_ =	shalt  }
0x7a: {  	_ =	shalt  }
0x7b: {  	_ =	shalt  }
0x7c: {  	_ =	shalt  }
0x7d: {  	_ =	shalt  }
0x7e: {  	_ =	shalt  }
0x7f: {  	_ =	shalt  }
0x80: {  	_ =	shalt  }
0x81: {  	_ =	shalt  }
0x82: {  	_ =	shalt  }
0x83: {  	_ =	shalt  }
0x84: {  	_ =	shalt  }
0x85: {  	_ =	shalt  }
0x86: {  	_ =	shalt  }
0x87: {  	_ =	shalt  }
.Lfunc_end0:
.L_simem_size_0:
called_computation_lowered:
.L_overlay_start_0:
0x88: {  	s2 =	sld [smem:$0x3FD9]  }
0x89: {  	s3 =	sld [smem:$0x3FFE];
	_ =	sdelay $0x1  }
0x8a: {  	s1 =	srdreg.scid  }
0x8b: {  	s0 =	sand.u32 $0x1, s1  }
0x8c: {  	s14 =	sshll.u32 s0, $0xA;
	s2 =	sadd.s32 s3, s2  }
0x8d: {  	s2 =	sadd.s32 s2, s14  }
0x8e: {  	[smem:$0x3FBC] =	sst s2  }
0x8f: {  	_ = 	snop  }
0x90: {  	s2 =	sld [smem:$0x3FD0];
	_ =	sdelay $0x2  }
0x91: {  	s4 =	simm.s32 $0xA;
	s5 =	simm.s32 $0x10;
	s15 =	sld [smem:$0x3FC9]  }
0x92: {  	[smem:s5], [sflag:s4] =	dma.local [hbm:s2], $0x1  }
0x93: {  	_ =	swait.eq [sflag:s4], $0x1  }
0x94: {  	[sflag:s4] =	ssyncset.done $0x0  }
0x95: {  	[sflag:s4] =	ssyncadd.s32 $0xFFFFFFFF  }
0x96: {  	s16 =	sld [smem:$0x10];
	(tm) =	ssettm $0x1  }
0x97: {  	s17 =	sld [smem:$0x3FFB];
	_ =	sdelay $0x3  }
0x98: {  	_ =	strace s17  }
0x99: {  	s4 =	sld [smem:$0x3FFC];
	_ =	sdelay $0x3  }
0x9a: {  	_ =	strace s4  }
0x9b: {  	s4 =	sld [smem:$0x3FFD];
	_ =	sdelay $0x3  }
0x9c: {  	_ =	strace s4  }
0x9d: {  	_ =	strace $0x8FFFFFFF  }
0x9e: {  	s18 =	sld [smem:$0x3FDB];
	_ =	sdelay $0x1  }
0x9f: {  	s19 =	simm.s32 $_scs_section_size  }
0xa0: {  	s6 =	simm.s32 $_size__tile_overlayer_lowered;
	s7 =	simm.s32 $_tile_overlayer_lowered  }
0xa1: {  	s22 =	simm.s32 $0x1BFF;
	s21 =	sshll.u32 s7, $0x1;
	s4 =	sadd.s32 s19, s18  }
0xa2: {  	s8 =	simm.s32 $0x0;
	s20 =	sshll.u32 s6, $0x1;
	s6 =	sadd.s32 s21, s4  }
0xa3: {  	[timem:s8], [sflag:s22] =	dma.local [hbm:s6], s20  }
0xa4: {  	_ =	swait.ge [sflag:s22], s20  }
0xa5: {  	s5 =	ssub.s32 $0x0, s20;
	[sflag:s22] =	ssyncset.done $0x0  }
0xa6: {  	[sflag:s22] =	ssyncadd.s32 s5;
	_ =	sdelay $0x1  }
0xa7: {  	s23 =	simm.s32 $0x1B8B  }
0xa8: {  	_ =	swait.ge [sflag:s23], $0x1  }
0xa9: {  	[sflag:s23] =	ssyncset.done $0x0  }
0xaa: {  	s25 =	simm.s32 $0x1B8E;
	s24 =	sld [smem:$0x3FFE];
	[sflag:s23] =	ssyncadd.s32 $0xFFFFFFFF  }
0xab: {  	s26 =	simm.s32 $execute0_lowered;
	[smem:$0x3FD2] =	sst s25  }
0xac: {  	s6 =	sshll.u32 s26, $0x1;
	_ =	strace $0x80000046;
	[dreg:$0x1] =	wrdreg $0xFFFFFFFF  }
0xad: {  	s28 =	simm.s32 $_size_execute0_lowered;
	s4 =	sadd.s32 s4, s6;
	[dreg:$0x0] =	wrdreg $0x0  }
0xae: {  	s6 =	sshll.u32 s28, $0x1;
	[dreg:$0x2] =	wrdreg s4  }
0xaf: {  	[dreg:$0x3] =	wrdreg s6  }
0xb0: {  	[dreg:$0x4] =	wrdreg $0xC0  }
0xb1: {  	_ =	task [dreg:s8], $0x5FFFF  }
0xb2: {  	[dreg:$0x1] =	wrdreg $0xFFFFFFFF  }
0xb3: {  	[dreg:$0x0] =	wrdreg $0x60  }
0xb4: {  	[dreg:$0x2] =	wrdreg s15  }
0xb5: {  	[dreg:$0x3] =	wrdreg s24  }
0xb6: {  	[dreg:$0x4] =	wrdreg s16  }
0xb7: {  	[dreg:$0x5] =	wrdreg $0x9  }
0xb8: {  	_ =	task.clear_ibuf [dreg:s8], $0x6FFFF;
	_ =	strace $0x90000046  }
0xb9: {  	s29 =	simm.s32 $0x9;
	_ =	strace $0x80000048  }
0xba: {  	_ =	swait.ge [sflag:s29], $0x1  }
0xbb: {  	[sflag:s29] =	ssyncadd.s32 $0xFFFFFFFF  }
0xbc: {  	_ =	strace $0x90000048  }
0xbd: {  	_ =	sfence  }
0xbe: {  	s30 =	sld [smem:$0x0];
	_ =	sdelay $0x2  }
0xbf: {  	s31 =	sshll.u32 s1, $0xD;
	s1 =	sshrl.u32 s1, $0x2  }
0xc0: {  	s3 =	sand.u32 $0x4000, s31;
	s1 =	sadd.s32 s1, s30  }
0xc1: {  	s0 =	sor.u32 s3, s0;
	s1 =	sshll.u32 s1, $0x11  }
0xc2: {  	s0 =	sor.u32 s1, s0  }
0xc3: {  	s0 =	sadd.s32 $0x8F2B, s0  }
0xc4: {  	[sflag:s0] =	ssyncadd.remote.s32 $0x1  }
0xc5: {  	_ =	sfence.sel $0xFFFF  }
0xc6: {  	[dreg:$0x0] =	wrdreg $0xFFFFFFFF;
	(pc) =	sbr.abs _section_cstart, $3  }
0xc7: {  	[dreg:$0x1] =	wrdreg $0xFFFFFFFF  }
0xc8: {  	_ =	task.clear_ibuf [dreg:s8], $0x2FFFF;
	_ =	strace $0x9FFFFFFF  }
0xc9: {  	(tm) =	ssettm $0x7FFFFFFF  }
tec
execute0_lowered:
.L_overlay_start_1:
0x0: {  	(tag) =	ssettag $0x1  }
0x1: {  	s0 =	srdreg.scid;
	s1 =	rddreg [dreg:$0x0]  }
0x2: {  	s6 =	stileid.u32;
	s4 =	rddreg [dreg:$0x1]  }
0x3: {  	s5 =	rddreg [dreg:$0x2];
	s3 =	simm.s32 $0x1;
	s13 =	simm.s32 $0x2  }
0x4: {  	s16 =	simm.s32 $0x2580;
	s18 =	simm.s32 $0x2D80;
	s19 =	simm.s32 $0x3580  }
0x5: {  	s28 =	simm.s32 $0x7580;
	s29 =	simm.s32 $0x7D80;
	s0 =	sand.u32 $0x1, s0  }
0x6: {  	s30 =	simm.s32 $0x8580;
	s31 =	simm.s32 $0x8D80;
	s2 =	sor.u32 s0, s6  }
0x7: {  	s11 =	simm.s32 $0x0;
	p1 =	seq.s32 s0, $0x1;
	p0 =	seq.s32 s2, $0x0  }
0x8: {  	s20 =	ssub.s32 $0x2, s0;
	s22 =	sshll.u32 s0, $0x12;
	p0 =	por !p0, !p1  }
0x9: {  	s0 =	sshll.u32 s0, $0x9;
	s2 =	simm.s32 $0x0;
	p0 =	por !p0, !p0  }
0xa: {  	s10 =	sshrl.u32 s20, $0x1;
	[smem:$0x7FF] =	sst s2;
	s3 =	simm.s32 @!p0 $0x0  }
0xb: {  	_ =	strace $0x80000047;
	s6 =	ssub.s32 s6, s3;
	s3 =	simm.s32 $0x1  }
0xc: {  	s7 =	sshrl.u32 s6, $0x3;
	s8 =	sshll.u32 s6, $0x7;
	s6 =	sshll.u32 s6, $0x13  }
0xd: {  	s9 =	sshll.u32 s7, $0x10;
	s8 =	sand.u32 $0x380, s8;
	s7 =	sshll.u32 s7, $0xA  }
0xe: {  	s24 =	sand.u32 $0x1FF80000, s6;
	s25 =	sor.u32 s22, s6;
	s22 =	simm.s32 $0x4D80  }
0xf: {  	s9 =	sor.u32 s8, s9;
	s7 =	sor.u32 s8, s7;
	s8 =	ssub.s32 s20, s10  }
0x10: {  	s26 =	sshrl.u32 s25, $0x3;
	s10 =	sor.u32 $0x2120, s0;
	s20 =	simm.s32 $0x3D80  }
0x11: {  	s25 =	simm.s32 $0x6580;
	s0 =	simm.s32 $0x9D80;
	s9 =	sshrl.u32 s9, $0x3  }
0x12: {  	s7 =	sshrl.u32 s7, $0x3;
	s8 =	smax.u32 s8, $0x1;
	s9 =	sadd.s32 s9, s4  }
0x13: {  	s4 =	sadd.s32 s7, s4;
	s7 =	sadd.s32 s1, s24;
	s24 =	simm.s32 $0x5D80  }
0x14: {  	s1 =	simm.s32 $0x9580;
	s21 =	sadd.s32 $0x1600, s9;
	s23 =	sadd.s32 $0x1200, s4  }
0x15: {  	v0 =	vlaneseq.u32;
	s4 =	sadd.s32 $0x1400, s4;
	s9 =	sadd.s32 s26, s5;
	[dreg:$0x4] =	wrdreg s21  }
0x16: {  	v1 =	vimm.s32 $0x0;
	vm0 =	vmmov $0xffff;
	v3 =	vshrl.u32 v0, $0x3;
	s17 =	sadd.s32 $0x100, s7;
	s26 =	simm.s32 $0x6D80;
	[dreg:$0x5] =	wrdreg s23  }
0x17: {  	v2 =	vand.u32 $0x7, v0;
	v4 =	vor.u32 $0x8, v0;
	v3 =	vmul.u32 $0x8, v3;
	[dreg:$0x6] =	wrdreg s4;
	s21 =	simm.s32 $0x4580;
	s23 =	simm.s32 $0x5580  }
.LBB2_1:
0x18: {  	s4 =	rddreg [dreg:$0x4];
	s5 =	simm.s32 $0x80;
	s6 =	simm.s32 $0x400  }
0x19: {  	[tilespmem:s2], [sflag:$0x2] =	stream.strided.gather [hbm4b:s4+s5], $0x2000, s6, s5, $0x38;
	[tilespmem:$0xA580] =	vst v63  }
0x1a: {  	_ =	swait.ge [sflag:s13], $0x2000  }
0x1b: {  	[sflag:s13] =	ssyncset.done $0x0  }
0x1c: {  	s12 =	simm.s32 $0x2000;
	s6 =	rddreg [dreg:$0x5];
	[sflag:s13] =	ssyncadd.s32 $0xFFFFE000  }
0x1d: {  	[tilespmem:s12], [sflag:$0x2] =	stream.linear.gather [hbm4b:s6+s2], $0x80, $0x38;
	[tilespmem:$0xA580] =	vst v63  }
0x1e: {  	_ =	swait.ge [sflag:s13], $0x80  }
0x1f: {  	[sflag:s13] =	ssyncset.done $0x0  }
0x20: {  	s15 =	simm.s32 $0x2080;
	s14 =	rddreg [dreg:$0x6];
	[sflag:s13] =	ssyncadd.s32 $0xFFFFFF80  }
0x21: {  	[tilespmem:s15], [sflag:$0x2] =	stream.linear.gather [hbm4b:s14+s2], $0x80, $0x38;
	[tilespmem:$0xA580] =	vst v63  }
0x22: {  	_ =	swait.ge [sflag:s13], $0x80  }
0x23: {  	[sflag:s13] =	ssyncset.done $0x0  }
0x24: {  	[sflag:s13] =	ssyncadd.s32 $0xFFFFFF80  }
0x25: {  	v5 =	vld [tilespmem:$0x2000]  }
0x26: {  	v7 =	vld [tilespmem:s2+$0x0];
	_ =	sdelay $0x4  }
0x27: {  	vm1 =	veq.f32 v7, v5  }
0x28: {  	v6 =	vsel vm1, $0x1, v1  }
0x29: {  	(xrf0) =	vadd.scan.msk.s32 $0xffff, v6;
	_ =	sdelay $0x2  }
0x2a: {  	v8 =	vmov s2;
	v6 =	vld [tilespmem:$0x2080]  }
0x2b: {  	v8 =	vadd.s32 $0xFFFFFFFF, v8  }
0x2c: {  	v8 =	vbroadcast v8, $0x0  }
0x2d: {  	v9, _, _ =	vpop (xrf0)  }
0x2e: {  	v8 =	vadd.s32 v8, v9;
	(v2sf) =	vpush v9, $0xF  }
0x2f: {  	vm2 =	vlt.s32 v8, v6  }
0x30: {  	vm3 =	vgt.f32 v7, v5;
	vm1 =	vmand vm1, vm2  }
0x31: {  	v7 =	vor.u32 s2, v0;
	vm1 =	vmor vm3, vm1  }
0x32: {  	[tilespmem:s2+$0x2100] =	vst.msk vm1, v7;
	v7 =	vsel vm1, $0x1, v1  }
0x33: {  	(xrf0) =	vadd.scan.msk.s32 $0xffff, v7;
	_ =	sdelay $0x1  }
0x34: {  	s4 =	simm.s32 $0x20;
	s12 =	simm.s32 $0x10  }
0x35: {  	s5 =	simm.s32 $0x10;
	s15 =	simm.s32 $0x0;
	s14 =	simm.s32 $0x0;
	v7 =	vld [tilespmem:s12+$0x0]  }
.LBB2_2:
0x36: {  	p0 =	sne.s32 s4, $0x1FF0;
	_ =	sdelay $0x1  }
0x37: {  	v8, _, _ =	vpop (xrf0)  }
0x38: {  	(v2sf) =	vpush v8, $0xF  }
0x39: {  	vm1 =	vgt.f32 v7, v5;
	vm2 =	veq.f32 v7, v5  }
0x3a: {  	v7 =	vsel vm2, $0x1, v1  }
0x3b: {  	(xrf0) =	vadd.scan.msk.s32 $0xffff, v7;
	s6 =	spop (v2sf)  }
0x3c: {  	s15 =	sadd.s32 s15, s6;
	_ =	sdelay $0x1  }
0x3d: {  	v7 =	vmov s15  }
0x3e: {  	v7 =	vadd.s32 $0xFFFFFFFF, v7  }
0x3f: {  	v7 =	vbroadcast v7, $0x0  }
0x40: {  	v8, _, _ =	vpop (xrf0)  }
0x41: {  	v7 =	vadd.s32 v7, v8;
	(v2sf) =	vpush v8, $0xF  }
0x42: {  	vm3 =	vlt.s32 v7, v6  }
0x43: {  	vm2 =	vmand vm2, vm3  }
0x44: {  	vm1 =	vmor vm1, vm2  }
.Ltmp0:
0x45: {  	v7 =	vsel vm1, $0x1, v1;
	(pc) =	sbr.rel @p0 .LBB2_2-.Ltmp0, $4  }
0x46: {  	(xrf0) =	vadd.scan.msk.s32 $0xffff, v7;
	s6 =	spop (v2sf)  }
0x47: {  	v7 =	vor.u32 s12, v0;
	s12 =	smov.u32 s4;
	s14 =	sadd.s32 s14, s6  }
0x48: {  	s5 =	sadd.s32 $0x10, s5;
	[tilespmem:s14+$0x2100] =	vst.msk vm1, v7  }
0x49: {  	s4 =	sadd.s32 $0x10, s4;
	v7 =	vld [tilespmem:s5+$0x0]  }
0x4a: {  	_ =	sdelay $0x3  }
0x4b: {  	vm1 =	veq.f32 v7, v5  }
0x4c: {  	v8 =	vsel vm1, $0x1, v1  }
0x4d: {  	(xrf0) =	vadd.scan.msk.s32 $0xffff, v8  }
0x4e: {  	s4 =	spop (v2sf)  }
0x4f: {  	s4 =	sadd.s32 s15, s4  }
0x50: {  	v63 =	vmov s4  }
0x51: {  	v8 =	vadd.s32 $0xFFFFFFFF, v63  }
0x52: {  	v9, _, _ =	vpop (xrf0);
	v8 =	vbroadcast v8, $0x0  }
0x53: {  	v10, _, _ =	vpop (xrf0)  }
0x54: {  	v8 =	vadd.s32 v8, v10  }
0x55: {  	vm2 =	vlt.s32 v8, v6  }
0x56: {  	vm3 =	vgt.f32 v7, v5;
	vm1 =	vmand vm1, vm2  }
0x57: {  	vm1 =	vmor vm3, vm1  }
0x58: {  	v5 =	vsel vm1, $0x1, v1  }
0x59: {  	(xrf0) =	vadd.scan.msk.s32 $0xffff, v5;
	_ =	sdelay $0x4  }
0x5a: {  	(v2sf) =	vpush v9, $0xF  }
0x5b: {  	(v2sf) =	vpush v10, $0xF;
	v5, _, _ =	vpop (xrf0)  }
0x5c: {  	(v2sf) =	vpush v5, $0xF;
	_ =	sdelay $0xc  }
0x5d: {  	s6 =	spop (v2sf)  }
0x5e: {  	s4 =	sadd.s32 s14, s6;
	v5 =	vor.u32 s12, v0;
	s5 =	spop (v2sf)  }
0x5f: {  	s14 =	smov.u32 s10;
	s12 =	simm.s32 $0x0;
	[tilespmem:s4+$0x2100] =	vst.msk vm1, v5;
	s15 =	spop (v2sf)  }
.LBB2_4:
0x60: {  	v5 =	vld [tilespmem:s14+$0xFFFFFFE0];
	_ =	sdelay $0x4  }
0x61: {  	v6 =	vshll.u32 v5, $0x2  }
0x62: {  	v5 =	vand.u32 $0x7, v5;
	v6 =	vand.u32 $0xFFFFFFE0, v6  }
0x63: {  	v5 =	vor.u32 v5, v6  }
0x64: {  	v6 =	vperm.xlane v5, v2;
	_ =	sdelay $0x1  }
0x65: {  	v6 =	vadd.s32 v3, v6;
	_ =	sdelay $0x1  }
0x66: {  	v5 =	vperm.xlane v5, v4;
	_ =	sdelay $0x1  }
0x67: {  	v5 =	vadd.s32 v3, v5  }
0x68: {  	[tilespmem:s16], [sflag:$0x1] =	stream.indirect_vreg.gather [hbm4b:s7+s2], $0x80, v6, vm0, $0xb8;
	[tilespmem:$0xA580] =	vst v63  }
0x69: {  	_ = 	snop  }
0x6a: {  	[tilespmem:s18], [sflag:$0x1] =	stream.indirect_vreg.gather [hbm4b:s17+s2], $0x80, v6, vm0, $0xb8;
	[tilespmem:$0xA580] =	vst v63  }
0x6b: {  	_ = 	snop  }
0x6c: {  	[tilespmem:s19], [sflag:$0x1] =	stream.indirect_vreg.gather [hbm4b:s7+s2], $0x80, v5, vm0, $0xb8;
	[tilespmem:$0xA580] =	vst v63  }
0x6d: {  	_ = 	snop  }
0x6e: {  	[tilespmem:s20], [sflag:$0x1] =	stream.indirect_vreg.gather [hbm4b:s17+s2], $0x80, v5, vm0, $0xb8;
	[tilespmem:$0xA580] =	vst v63  }
0x6f: {  	v5 =	vld [tilespmem:s14+$0xFFFFFFF0];
	_ =	sdelay $0x4  }
0x70: {  	v6 =	vshll.u32 v5, $0x2  }
0x71: {  	v5 =	vand.u32 $0x7, v5;
	v6 =	vand.u32 $0xFFFFFFE0, v6  }
0x72: {  	v5 =	vor.u32 v5, v6  }
0x73: {  	v6 =	vperm.xlane v5, v2;
	_ =	sdelay $0x1  }
0x74: {  	v6 =	vadd.s32 v3, v6;
	_ =	sdelay $0x1  }
0x75: {  	v5 =	vperm.xlane v5, v4;
	_ =	sdelay $0x1  }
0x76: {  	v5 =	vadd.s32 v3, v5  }
0x77: {  	[tilespmem:s21], [sflag:$0x1] =	stream.indirect_vreg.gather [hbm4b:s7+s2], $0x80, v6, vm0, $0xb8;
	[tilespmem:$0xA580] =	vst v63  }
0x78: {  	_ = 	snop  }
0x79: {  	[tilespmem:s22], [sflag:$0x1] =	stream.indirect_vreg.gather [hbm4b:s17+s2], $0x80, v6, vm0, $0xb8;
	[tilespmem:$0xA580] =	vst v63  }
0x7a: {  	_ = 	snop  }
0x7b: {  	[tilespmem:s23], [sflag:$0x1] =	stream.indirect_vreg.gather [hbm4b:s7+s2], $0x80, v5, vm0, $0xb8;
	[tilespmem:$0xA580] =	vst v63  }
0x7c: {  	_ = 	snop  }
0x7d: {  	[tilespmem:s24], [sflag:$0x1] =	stream.indirect_vreg.gather [hbm4b:s17+s2], $0x80, v5, vm0, $0xb8;
	[tilespmem:$0xA580] =	vst v63  }
0x7e: {  	v5 =	vld [tilespmem:s14+$0x0];
	_ =	sdelay $0x4  }
0x7f: {  	v6 =	vshll.u32 v5, $0x2  }
0x80: {  	v5 =	vand.u32 $0x7, v5;
	v6 =	vand.u32 $0xFFFFFFE0, v6  }
0x81: {  	v5 =	vor.u32 v5, v6  }
0x82: {  	v6 =	vperm.xlane v5, v2;
	_ =	sdelay $0x1  }
0x83: {  	v6 =	vadd.s32 v3, v6;
	_ =	sdelay $0x1  }
0x84: {  	v5 =	vperm.xlane v5, v4;
	_ =	sdelay $0x1  }
0x85: {  	v5 =	vadd.s32 v3, v5  }
0x86: {  	[tilespmem:s25], [sflag:$0x1] =	stream.indirect_vreg.gather [hbm4b:s7+s2], $0x80, v6, vm0, $0xb8;
	[tilespmem:$0xA580] =	vst v63  }
0x87: {  	_ = 	snop  }
0x88: {  	[tilespmem:s26], [sflag:$0x1] =	stream.indirect_vreg.gather [hbm4b:s17+s2], $0x80, v6, vm0, $0xb8;
	[tilespmem:$0xA580] =	vst v63  }
0x89: {  	_ = 	snop  }
0x8a: {  	[tilespmem:s28], [sflag:$0x1] =	stream.indirect_vreg.gather [hbm4b:s7+s2], $0x80, v5, vm0, $0xb8;
	[tilespmem:$0xA580] =	vst v63  }
0x8b: {  	_ = 	snop  }
0x8c: {  	[tilespmem:s29], [sflag:$0x1] =	stream.indirect_vreg.gather [hbm4b:s17+s2], $0x80, v5, vm0, $0xb8;
	[tilespmem:$0xA580] =	vst v63  }
0x8d: {  	v5 =	vld [tilespmem:s14+$0x10];
	_ =	sdelay $0x4  }
0x8e: {  	v6 =	vshll.u32 v5, $0x2  }
0x8f: {  	v5 =	vand.u32 $0x7, v5;
	v6 =	vand.u32 $0xFFFFFFE0, v6  }
0x90: {  	v5 =	vor.u32 v5, v6  }
0x91: {  	v6 =	vperm.xlane v5, v2;
	_ =	sdelay $0x1  }
0x92: {  	v6 =	vadd.s32 v3, v6;
	_ =	sdelay $0x1  }
0x93: {  	v5 =	vperm.xlane v5, v4;
	_ =	sdelay $0x1  }
0x94: {  	v5 =	vadd.s32 v3, v5  }
0x95: {  	[tilespmem:s30], [sflag:$0x1] =	stream.indirect_vreg.gather [hbm4b:s7+s2], $0x80, v6, vm0, $0xb8;
	[tilespmem:$0xA580] =	vst v63  }
0x96: {  	_ = 	snop  }
0x97: {  	[tilespmem:s31], [sflag:$0x1] =	stream.indirect_vreg.gather [hbm4b:s17+s2], $0x80, v6, vm0, $0xb8;
	[tilespmem:$0xA580] =	vst v63  }
0x98: {  	_ = 	snop  }
0x99: {  	[tilespmem:s1], [sflag:$0x1] =	stream.indirect_vreg.gather [hbm4b:s7+s2], $0x80, v5, vm0, $0xb8;
	[tilespmem:$0xA580] =	vst v63  }
0x9a: {  	_ = 	snop  }
0x9b: {  	[tilespmem:s0], [sflag:$0x1] =	stream.indirect_vreg.gather [hbm4b:s17+s2], $0x80, v5, vm0, $0xb8;
	[tilespmem:$0xA580] =	vst v63  }
0x9c: {  	_ =	swait.ge [sflag:s3], $0x8000  }
0x9d: {  	p0 =	sne.s32 s12, $0x7000;
	[sflag:s3] =	ssyncset.done $0x0  }
.Ltmp1:
0x9e: {  	s4 =	sadd.s32 s12, s9;
	[sflag:s3] =	ssyncadd.s32 $0xFFFF8000;
	(pc) =	sbr.rel @p0 .LBB2_4-.Ltmp1, $4  }
0x9f: {  	[hbm4b:s4+s2] =	stream.linear.scatter [tilespmem:s16], [sflag:$0x2], $0x8000, $0x38;
	[tilespmem:$0xA580] =	vst v63  }
0xa0: {  	_ =	swait.ge [sflag:s13], $0x8000  }
0xa1: {  	[sflag:s13] =	ssyncset.done $0x0  }
0xa2: {  	s12 =	sadd.s32 $0x1000, s12;
	s14 =	sadd.s32 $0x40, s14;
	[sflag:s13] =	ssyncadd.s32 $0xFFFF8000  }
0xa3: {  	s11 =	sadd.s32 $0x1, s11  }
0xa4: {  	p0 =	sne.s32 s11, s8  }
.Ltmp2:
0xa5: {  	_ = 	snop;
	(pc) =	sbr.rel @p0 .LBB2_1-.Ltmp2, $1  }
0xa6: {  	_ =	sdelay $0x3  }
0xa7: {  	_ =	sfence.sel $0x180000  }
0xa8: {  	[bflag:$0x0] =	sbarrier.arrive $0xFFFF  }
0xa9: {  	_ =	strace $0x90000047  }
0xaa: {  	s0 =	stileid.u32;
	[bflag:$0x2] =	sbarrier.arrive $0xFFFF  }
0xab: {  	p0 =	sne.s32 s0, $0x0;
	s0 =	rddreg [dreg:$0x3]  }
0xac: {  	s0 =	sadd.s32 @!p0 $0x100000, s0  }
0xad: {  	[sflag:s0] =	ssyncadd.tile.s32 @!p0 $0x1;
	_ =	shalt  }
.Lfunc_end2:
_tile_overlayer_lowered:
.L_overlay_start_2:
0xae: {  	(tag) =	ssettag $0x2  }
0xaf: {  	s0 =	rddreg [dreg:$0x0];
	s2 =	stileid.u32  }
0xb0: {  	s1 =	rddreg [dreg:$0x1];
	p0 =	sne.s32 s2, $0x0  }
0xb1: {  	s3 =	rddreg [dreg:$0x2];
	[bflag:$0x3] =	sbarrier.arrive $0xFFFF;
	s2 =	simm.s32 @!p0 $0x1C02  }
0xb2: {  	[timem:s3], [sflag:s2] =	dma.local @!p0 [hbm:s0], s1  }
0xb3: {  	s0 =	simm.s32 @!p0 $0x2  }
0xb4: {  	_ =	swait.ge @!p0 [sflag:s0], s1  }
0xb5: {  	s1 =	ssub.s32 @!p0 $0x0, s1;
	[sflag:s0] =	ssyncset.done @!p0 $0x0  }
0xb6: {  	[sflag:s0] =	ssyncadd.s32 @!p0 s1  }
0xb7: {  	[bflag:$0x3] =	sbarrier.arrive $0xFFFF  }
0xb8: {  	_ =	shalt  }

</sc_bundles>
